<compile_context>
chip_gen: v7x
topology: tpu7x:2x2x1
jax: 0.10.2.dev20260603
libtpu: 0.0.44.dev20260713+nightly
codegen_flags: <defaults>
</compile_context>

<pallas_src>
import functools

import jax
import jax.numpy as jnp
from jax import lax
from jax.experimental import pallas as pl
from jax.experimental.pallas import tpu as pltpu
from jax.experimental.pallas import tpu_sc as plsc

_SIZES = (6, 10, 2, 1, 1, 1, 1, 2, 1, 1, 2, 2)
_NF = 12
_B = 16384
_NC, _NS, _L = 2, 16, 16
_NW = _NC * _NS
_COLS = _B // _NW
_GROUPS = _COLS // _L

_mesh = plsc.VectorSubcoreMesh(core_axis_name="c", subcore_axis_name="s")


@functools.partial(
    pl.kernel,
    out_type=jax.ShapeDtypeStruct((_B,), jnp.float32),
    mesh=_mesh,
    scratch_types=[
        pltpu.VMEM((_NF, _COLS), jnp.int32),
        pltpu.VMEM((_NF, _COLS), jnp.float32),
        pltpu.VMEM((13 * _L,), jnp.float32),
        pltpu.VMEM((_COLS,), jnp.float32),
        pltpu.SemaphoreType.DMA,
    ],
    compiler_params=pltpu.CompilerParams(
        needs_layout_passes=False, use_tc_tiling_on_sc=True),
)
def _sc_fm(xt_hbm, wt_hbm, e0, e1, e2, e3, e4, e5, e6, e7, e8, e9, e10, e11,
           bias_hbm, out_hbm, x_v, w_v, tab_v, out_v, sem):
    wid = lax.axis_index("s") * _NC + lax.axis_index("c")
    col0 = wid * _COLS
    tabs = (e0, e1, e2, e3, e4, e5, e6, e7, e8, e9, e10, e11)
    copies = [
        pltpu.async_copy(xt_hbm.at[:, pl.ds(col0, _COLS)], x_v, sem),
        pltpu.async_copy(wt_hbm.at[:, pl.ds(col0, _COLS)], w_v, sem),
        pltpu.async_copy(bias_hbm, tab_v.at[pl.ds(12 * _L, 1)], sem),
    ]
    for i in range(_NF):
        copies.append(
            pltpu.async_copy(tabs[i], tab_v.at[pl.ds(i * _L, _SIZES[i])], sem)
        )
    for c in copies:
        c.wait()

    bias_vec = plsc.load_gather(tab_v, [jnp.full((_L,), 12 * _L, jnp.int32)])

    @pl.loop(0, _GROUPS)
    def _group(g):
        acc = bias_vec
        for i in range(_NF):
            xi = x_v[i, pl.ds(g * _L, _L)]
            wi = w_v[i, pl.ds(g * _L, _L)]
            tv = plsc.load_gather(tab_v, [xi + i * _L])
            acc = acc + wi * tv
        out_v[pl.ds(g * _L, _L)] = acc

    pltpu.sync_copy(out_v, out_hbm.at[pl.ds(col0, _COLS)])


def kernel(X, weight, emb0, emb1, emb2, emb3, emb4, emb5, emb6, emb7, emb8,
           emb9, emb10, emb11, bias):
    tabs = [t.reshape(-1) for t in
            (emb0, emb1, emb2, emb3, emb4, emb5, emb6, emb7, emb8, emb9,
             emb10, emb11)]
    return _sc_fm(X.T, weight.T, *tabs, bias)

# --- scband reference (transcript-rebuilt; emitter-appended) ---
"""Pipeline reference for scband-mle-37168646980393 (READ-ONLY COPY).

The authoritative reference and input builder live on the scoring server;
editing this copy changes nothing except your own understanding.
"""

import jax, jax.numpy as jnp
import numpy as np

FEATURE_SIZES = [6, 10, 2, 1, 1, 1, 1, 2, 1, 1, 2, 2]
BATCH = 16384


def setup_inputs(seed: int = 0) -> dict:
    key = jax.random.key(seed)
    keys = jax.random.split(key, 13)
    # per-field indices, each bounded by its own vocab size so lookups are in-range
    cols = [jax.random.randint(keys[i], (BATCH,), 0, FEATURE_SIZES[i], dtype=jnp.int32) for i in range(12)]
    X = jnp.stack(cols, axis=1)
    weight = jax.random.normal(keys[12], (BATCH, 12), dtype=jnp.float32)
    inp = {"X": X, "weight": weight}
    pkey = jax.random.key(42)
    pkeys = jax.random.split(pkey, 13)
    for i in range(12):
        inp[f"emb{i}"] = jax.random.normal(pkeys[i], (FEATURE_SIZES[i], 1), dtype=jnp.float32)
    inp["bias"] = jax.random.normal(pkeys[12], (1,), dtype=jnp.float32)
    return inp


def reference(X, weight, emb0, emb1, emb2, emb3, emb4, emb5, emb6, emb7, emb8, emb9, emb10, emb11, bias):
    tables = [emb0, emb1, emb2, emb3, emb4, emb5, emb6, emb7, emb8, emb9, emb10, emb11]
    batch_size = X.shape[0]
    # fm_first_order_emb_arr[i] = weight[:, i].unsqueeze(-1) * emb_i(X[:, i])  -> [B, 1]
    fm_first_order_emb_arr = [weight[:, i][:, None] * jnp.take(tables[i], X[:, i], axis=0) for i in range(12)]
    fm_first_order = jnp.concatenate(fm_first_order_emb_arr, axis=1)  # [B, 12]
    return (jnp.sum(fm_first_order, axis=1) + bias).reshape(batch_size)

if __name__ == "__main__":
    import jax
    _d = setup_inputs()
    print(jax.jit(kernel)(*tuple(_d.values())))

</pallas_src>

<mosaic_0001>
#map = affine_map<(d0, d1) -> (0, 0)>
#map1 = affine_map<(d0, d1) -> (0)>
module attributes {stable_mosaic.version = 14 : i64} {
  func.func @_sc_fm(%arg0: i32, %arg1: i32, %arg2: memref<12x16384xi32, #tpu.memory_space<hbm>>, %arg3: memref<12x16384xf32, #tpu.memory_space<hbm>>, %arg4: memref<6xf32, #tpu.memory_space<hbm>>, %arg5: memref<10xf32, #tpu.memory_space<hbm>>, %arg6: memref<2xf32, #tpu.memory_space<hbm>>, %arg7: memref<1xf32, #tpu.memory_space<hbm>>, %arg8: memref<1xf32, #tpu.memory_space<hbm>>, %arg9: memref<1xf32, #tpu.memory_space<hbm>>, %arg10: memref<1xf32, #tpu.memory_space<hbm>>, %arg11: memref<2xf32, #tpu.memory_space<hbm>>, %arg12: memref<1xf32, #tpu.memory_space<hbm>>, %arg13: memref<1xf32, #tpu.memory_space<hbm>>, %arg14: memref<2xf32, #tpu.memory_space<hbm>>, %arg15: memref<2xf32, #tpu.memory_space<hbm>>, %arg16: memref<1xf32, #tpu.memory_space<hbm>>, %arg17: memref<16384xf32, #tpu.memory_space<hbm>>, %arg18: memref<12x512xi32, #tpu.memory_space<vmem>>, %arg19: memref<12x512xf32, #tpu.memory_space<vmem>>, %arg20: memref<208xf32, #tpu.memory_space<vmem>>, %arg21: memref<512xf32, #tpu.memory_space<vmem>>, %arg22: memref<!tpu.dma_semaphore, #tpu.memory_space<semaphore_mem>>) attributes {dimension_semantics = [#tpu.dimension_semantics<core_parallel>, #tpu.dimension_semantics<subcore_parallel>], iteration_bounds = array<i64: 2, 16>, scalar_prefetch = 0 : i64, scratch_operands = 5 : i64, tpu.core_type = #tpu.core_type<sc_vector_subcore>, window_params = [{transform_indices = #map}, {transform_indices = #map}, {transform_indices = #map1}, {transform_indices = #map1}, {transform_indices = #map1}, {transform_indices = #map1}, {transform_indices = #map1}, {transform_indices = #map1}, {transform_indices = #map1}, {transform_indices = #map1}, {transform_indices = #map1}, {transform_indices = #map1}, {transform_indices = #map1}, {transform_indices = #map1}, {transform_indices = #map1}, {transform_indices = #map1}]} {
    %mul3A = arith.constant 2 : i32
    %mul3A_0 = arith.muli %arg1, %mul3A : i32
    %add3A = arith.addi %mul3A_0, %arg0 : i32
    %mul3A_1 = arith.constant 512 : i32
    %mul3A_2 = arith.muli %add3A, %mul3A_1 : i32
    %dma_start3A = arith.constant 0 : i32
    %dma_start3A_3 = tpu.memref_slice %arg2[%dma_start3A, %mul3A_2] : memref<12x16384xi32, #tpu.memory_space<hbm>> -> memref<12x512xi32, #tpu.memory_space<hbm>>
    %dma_start3A_4 = arith.constant 0 : i32
    %dma_start3A_5 = tpu.memref_slice %arg2[%dma_start3A_4, %mul3A_2] : memref<12x16384xi32, #tpu.memory_space<hbm>> -> memref<12x512xi32, #tpu.memory_space<hbm>>
    tpu.enqueue_dma source(%dma_start3A_5 : memref<12x512xi32, #tpu.memory_space<hbm>>) target(%arg18 : memref<12x512xi32, #tpu.memory_space<vmem>>) target_semaphore(%arg22 : memref<!tpu.dma_semaphore, #tpu.memory_space<semaphore_mem>>)
    %dma_start3A_6 = arith.constant 0 : i32
    %dma_start3A_7 = tpu.memref_slice %arg3[%dma_start3A_6, %mul3A_2] : memref<12x16384xf32, #tpu.memory_space<hbm>> -> memref<12x512xf32, #tpu.memory_space<hbm>>
    %dma_start3A_8 = arith.constant 0 : i32
    %dma_start3A_9 = tpu.memref_slice %arg3[%dma_start3A_8, %mul3A_2] : memref<12x16384xf32, #tpu.memory_space<hbm>> -> memref<12x512xf32, #tpu.memory_space<hbm>>
    tpu.enqueue_dma source(%dma_start3A_9 : memref<12x512xf32, #tpu.memory_space<hbm>>) target(%arg19 : memref<12x512xf32, #tpu.memory_space<vmem>>) target_semaphore(%arg22 : memref<!tpu.dma_semaphore, #tpu.memory_space<semaphore_mem>>)
    %dma_start3A_10 = arith.constant 192 : i32
    %dma_start3A_11 = tpu.memref_slice %arg20[%dma_start3A_10] : memref<208xf32, #tpu.memory_space<vmem>> -> memref<1xf32, #tpu.memory_space<vmem>>
    %dma_start3A_12 = arith.constant 192 : i32
    %dma_start3A_13 = tpu.memref_slice %arg20[%dma_start3A_12] : memref<208xf32, #tpu.memory_space<vmem>> -> memref<1xf32, #tpu.memory_space<vmem>>
    tpu.enqueue_dma source(%arg16 : memref<1xf32, #tpu.memory_space<hbm>>) target(%dma_start3A_13 : memref<1xf32, #tpu.memory_space<vmem>>) target_semaphore(%arg22 : memref<!tpu.dma_semaphore, #tpu.memory_space<semaphore_mem>>)
    %dma_start3A_14 = arith.constant 0 : i32
    %dma_start3A_15 = tpu.memref_slice %arg20[%dma_start3A_14] : memref<208xf32, #tpu.memory_space<vmem>> -> memref<6xf32, #tpu.memory_space<vmem>>
    %dma_start3A_16 = arith.constant 0 : i32
    %dma_start3A_17 = tpu.memref_slice %arg20[%dma_start3A_16] : memref<208xf32, #tpu.memory_space<vmem>> -> memref<6xf32, #tpu.memory_space<vmem>>
    tpu.enqueue_dma source(%arg4 : memref<6xf32, #tpu.memory_space<hbm>>) target(%dma_start3A_17 : memref<6xf32, #tpu.memory_space<vmem>>) target_semaphore(%arg22 : memref<!tpu.dma_semaphore, #tpu.memory_space<semaphore_mem>>)
    %dma_start3A_18 = arith.constant 16 : i32
    %dma_start3A_19 = tpu.memref_slice %arg20[%dma_start3A_18] : memref<208xf32, #tpu.memory_space<vmem>> -> memref<10xf32, #tpu.memory_space<vmem>>
    %dma_start3A_20 = arith.constant 16 : i32
    %dma_start3A_21 = tpu.memref_slice %arg20[%dma_start3A_20] : memref<208xf32, #tpu.memory_space<vmem>> -> memref<10xf32, #tpu.memory_space<vmem>>
    tpu.enqueue_dma source(%arg5 : memref<10xf32, #tpu.memory_space<hbm>>) target(%dma_start3A_21 : memref<10xf32, #tpu.memory_space<vmem>>) target_semaphore(%arg22 : memref<!tpu.dma_semaphore, #tpu.memory_space<semaphore_mem>>)
    %dma_start3A_22 = arith.constant 32 : i32
    %dma_start3A_23 = tpu.memref_slice %arg20[%dma_start3A_22] : memref<208xf32, #tpu.memory_space<vmem>> -> memref<2xf32, #tpu.memory_space<vmem>>
    %dma_start3A_24 = arith.constant 32 : i32
    %dma_start3A_25 = tpu.memref_slice %arg20[%dma_start3A_24] : memref<208xf32, #tpu.memory_space<vmem>> -> memref<2xf32, #tpu.memory_space<vmem>>
    tpu.enqueue_dma source(%arg6 : memref<2xf32, #tpu.memory_space<hbm>>) target(%dma_start3A_25 : memref<2xf32, #tpu.memory_space<vmem>>) target_semaphore(%arg22 : memref<!tpu.dma_semaphore, #tpu.memory_space<semaphore_mem>>)
    %dma_start3A_26 = arith.constant 48 : i32
    %dma_start3A_27 = tpu.memref_slice %arg20[%dma_start3A_26] : memref<208xf32, #tpu.memory_space<vmem>> -> memref<1xf32, #tpu.memory_space<vmem>>
    %dma_start3A_28 = arith.constant 48 : i32
    %dma_start3A_29 = tpu.memref_slice %arg20[%dma_start3A_28] : memref<208xf32, #tpu.memory_space<vmem>> -> memref<1xf32, #tpu.memory_space<vmem>>
    tpu.enqueue_dma source(%arg7 : memref<1xf32, #tpu.memory_space<hbm>>) target(%dma_start3A_29 : memref<1xf32, #tpu.memory_space<vmem>>) target_semaphore(%arg22 : memref<!tpu.dma_semaphore, #tpu.memory_space<semaphore_mem>>)
    %dma_start3A_30 = arith.constant 64 : i32
    %dma_start3A_31 = tpu.memref_slice %arg20[%dma_start3A_30] : memref<208xf32, #tpu.memory_space<vmem>> -> memref<1xf32, #tpu.memory_space<vmem>>
    %dma_start3A_32 = arith.constant 64 : i32
    %dma_start3A_33 = tpu.memref_slice %arg20[%dma_start3A_32] : memref<208xf32, #tpu.memory_space<vmem>> -> memref<1xf32, #tpu.memory_space<vmem>>
    tpu.enqueue_dma source(%arg8 : memref<1xf32, #tpu.memory_space<hbm>>) target(%dma_start3A_33 : memref<1xf32, #tpu.memory_space<vmem>>) target_semaphore(%arg22 : memref<!tpu.dma_semaphore, #tpu.memory_space<semaphore_mem>>)
    %dma_start3A_34 = arith.constant 80 : i32
    %dma_start3A_35 = tpu.memref_slice %arg20[%dma_start3A_34] : memref<208xf32, #tpu.memory_space<vmem>> -> memref<1xf32, #tpu.memory_space<vmem>>
    %dma_start3A_36 = arith.constant 80 : i32
    %dma_start3A_37 = tpu.memref_slice %arg20[%dma_start3A_36] : memref<208xf32, #tpu.memory_space<vmem>> -> memref<1xf32, #tpu.memory_space<vmem>>
    tpu.enqueue_dma source(%arg9 : memref<1xf32, #tpu.memory_space<hbm>>) target(%dma_start3A_37 : memref<1xf32, #tpu.memory_space<vmem>>) target_semaphore(%arg22 : memref<!tpu.dma_semaphore, #tpu.memory_space<semaphore_mem>>)
    %dma_start3A_38 = arith.constant 96 : i32
    %dma_start3A_39 = tpu.memref_slice %arg20[%dma_start3A_38] : memref<208xf32, #tpu.memory_space<vmem>> -> memref<1xf32, #tpu.memory_space<vmem>>
    %dma_start3A_40 = arith.constant 96 : i32
    %dma_start3A_41 = tpu.memref_slice %arg20[%dma_start3A_40] : memref<208xf32, #tpu.memory_space<vmem>> -> memref<1xf32, #tpu.memory_space<vmem>>
    tpu.enqueue_dma source(%arg10 : memref<1xf32, #tpu.memory_space<hbm>>) target(%dma_start3A_41 : memref<1xf32, #tpu.memory_space<vmem>>) target_semaphore(%arg22 : memref<!tpu.dma_semaphore, #tpu.memory_space<semaphore_mem>>)
    %dma_start3A_42 = arith.constant 112 : i32
    %dma_start3A_43 = tpu.memref_slice %arg20[%dma_start3A_42] : memref<208xf32, #tpu.memory_space<vmem>> -> memref<2xf32, #tpu.memory_space<vmem>>
    %dma_start3A_44 = arith.constant 112 : i32
    %dma_start3A_45 = tpu.memref_slice %arg20[%dma_start3A_44] : memref<208xf32, #tpu.memory_space<vmem>> -> memref<2xf32, #tpu.memory_space<vmem>>
    tpu.enqueue_dma source(%arg11 : memref<2xf32, #tpu.memory_space<hbm>>) target(%dma_start3A_45 : memref<2xf32, #tpu.memory_space<vmem>>) target_semaphore(%arg22 : memref<!tpu.dma_semaphore, #tpu.memory_space<semaphore_mem>>)
    %dma_start3A_46 = arith.constant 128 : i32
    %dma_start3A_47 = tpu.memref_slice %arg20[%dma_start3A_46] : memref<208xf32, #tpu.memory_space<vmem>> -> memref<1xf32, #tpu.memory_space<vmem>>
    %dma_start3A_48 = arith.constant 128 : i32
    %dma_start3A_49 = tpu.memref_slice %arg20[%dma_start3A_48] : memref<208xf32, #tpu.memory_space<vmem>> -> memref<1xf32, #tpu.memory_space<vmem>>
    tpu.enqueue_dma source(%arg12 : memref<1xf32, #tpu.memory_space<hbm>>) target(%dma_start3A_49 : memref<1xf32, #tpu.memory_space<vmem>>) target_semaphore(%arg22 : memref<!tpu.dma_semaphore, #tpu.memory_space<semaphore_mem>>)
    %dma_start3A_50 = arith.constant 144 : i32
    %dma_start3A_51 = tpu.memref_slice %arg20[%dma_start3A_50] : memref<208xf32, #tpu.memory_space<vmem>> -> memref<1xf32, #tpu.memory_space<vmem>>
    %dma_start3A_52 = arith.constant 144 : i32
    %dma_start3A_53 = tpu.memref_slice %arg20[%dma_start3A_52] : memref<208xf32, #tpu.memory_space<vmem>> -> memref<1xf32, #tpu.memory_space<vmem>>
    tpu.enqueue_dma source(%arg13 : memref<1xf32, #tpu.memory_space<hbm>>) target(%dma_start3A_53 : memref<1xf32, #tpu.memory_space<vmem>>) target_semaphore(%arg22 : memref<!tpu.dma_semaphore, #tpu.memory_space<semaphore_mem>>)
    %dma_start3A_54 = arith.constant 160 : i32
    %dma_start3A_55 = tpu.memref_slice %arg20[%dma_start3A_54] : memref<208xf32, #tpu.memory_space<vmem>> -> memref<2xf32, #tpu.memory_space<vmem>>
    %dma_start3A_56 = arith.constant 160 : i32
    %dma_start3A_57 = tpu.memref_slice %arg20[%dma_start3A_56] : memref<208xf32, #tpu.memory_space<vmem>> -> memref<2xf32, #tpu.memory_space<vmem>>
    tpu.enqueue_dma source(%arg14 : memref<2xf32, #tpu.memory_space<hbm>>) target(%dma_start3A_57 : memref<2xf32, #tpu.memory_space<vmem>>) target_semaphore(%arg22 : memref<!tpu.dma_semaphore, #tpu.memory_space<semaphore_mem>>)
    %dma_start3A_58 = arith.constant 176 : i32
    %dma_start3A_59 = tpu.memref_slice %arg20[%dma_start3A_58] : memref<208xf32, #tpu.memory_space<vmem>> -> memref<2xf32, #tpu.memory_space<vmem>>
    %dma_start3A_60 = arith.constant 176 : i32
    %dma_start3A_61 = tpu.memref_slice %arg20[%dma_start3A_60] : memref<208xf32, #tpu.memory_space<vmem>> -> memref<2xf32, #tpu.memory_space<vmem>>
    tpu.enqueue_dma source(%arg15 : memref<2xf32, #tpu.memory_space<hbm>>) target(%dma_start3A_61 : memref<2xf32, #tpu.memory_space<vmem>>) target_semaphore(%arg22 : memref<!tpu.dma_semaphore, #tpu.memory_space<semaphore_mem>>)
    %dma_wait3A = arith.constant 0 : i32
    %dma_wait3A_62 = tpu.memref_slice %arg2[%dma_wait3A, %mul3A_2] : memref<12x16384xi32, #tpu.memory_space<hbm>> -> memref<12x512xi32, #tpu.memory_space<hbm>>
    %dma_wait3A_63 = arith.constant 0 : i32
    %dma_wait3A_64 = tpu.memref_slice %arg2[%dma_wait3A_63, %mul3A_2] : memref<12x16384xi32, #tpu.memory_space<hbm>> -> memref<12x512xi32, #tpu.memory_space<hbm>>
    tpu.wait_dma2 semaphore(%arg22 : memref<!tpu.dma_semaphore, #tpu.memory_space<semaphore_mem>>) src(%dma_wait3A_64 : memref<12x512xi32, #tpu.memory_space<hbm>>) dst(%arg18 : memref<12x512xi32, #tpu.memory_space<vmem>>)
    %dma_wait3A_65 = arith.constant 0 : i32
    %dma_wait3A_66 = tpu.memref_slice %arg3[%dma_wait3A_65, %mul3A_2] : memref<12x16384xf32, #tpu.memory_space<hbm>> -> memref<12x512xf32, #tpu.memory_space<hbm>>
    %dma_wait3A_67 = arith.constant 0 : i32
    %dma_wait3A_68 = tpu.memref_slice %arg3[%dma_wait3A_67, %mul3A_2] : memref<12x16384xf32, #tpu.memory_space<hbm>> -> memref<12x512xf32, #tpu.memory_space<hbm>>
    tpu.wait_dma2 semaphore(%arg22 : memref<!tpu.dma_semaphore, #tpu.memory_space<semaphore_mem>>) src(%dma_wait3A_68 : memref<12x512xf32, #tpu.memory_space<hbm>>) dst(%arg19 : memref<12x512xf32, #tpu.memory_space<vmem>>)
    %dma_wait3A_69 = arith.constant 192 : i32
    %dma_wait3A_70 = tpu.memref_slice %arg20[%dma_wait3A_69] : memref<208xf32, #tpu.memory_space<vmem>> -> memref<1xf32, #tpu.memory_space<vmem>>
    %dma_wait3A_71 = arith.constant 192 : i32
    %dma_wait3A_72 = tpu.memref_slice %arg20[%dma_wait3A_71] : memref<208xf32, #tpu.memory_space<vmem>> -> memref<1xf32, #tpu.memory_space<vmem>>
    tpu.wait_dma2 semaphore(%arg22 : memref<!tpu.dma_semaphore, #tpu.memory_space<semaphore_mem>>) src(%arg16 : memref<1xf32, #tpu.memory_space<hbm>>) dst(%dma_wait3A_72 : memref<1xf32, #tpu.memory_space<vmem>>)
    %dma_wait3A_73 = arith.constant 0 : i32
    %dma_wait3A_74 = tpu.memref_slice %arg20[%dma_wait3A_73] : memref<208xf32, #tpu.memory_space<vmem>> -> memref<6xf32, #tpu.memory_space<vmem>>
    %dma_wait3A_75 = arith.constant 0 : i32
    %dma_wait3A_76 = tpu.memref_slice %arg20[%dma_wait3A_75] : memref<208xf32, #tpu.memory_space<vmem>> -> memref<6xf32, #tpu.memory_space<vmem>>
    tpu.wait_dma2 semaphore(%arg22 : memref<!tpu.dma_semaphore, #tpu.memory_space<semaphore_mem>>) src(%arg4 : memref<6xf32, #tpu.memory_space<hbm>>) dst(%dma_wait3A_76 : memref<6xf32, #tpu.memory_space<vmem>>)
    %dma_wait3A_77 = arith.constant 16 : i32
    %dma_wait3A_78 = tpu.memref_slice %arg20[%dma_wait3A_77] : memref<208xf32, #tpu.memory_space<vmem>> -> memref<10xf32, #tpu.memory_space<vmem>>
    %dma_wait3A_79 = arith.constant 16 : i32
    %dma_wait3A_80 = tpu.memref_slice %arg20[%dma_wait3A_79] : memref<208xf32, #tpu.memory_space<vmem>> -> memref<10xf32, #tpu.memory_space<vmem>>
    tpu.wait_dma2 semaphore(%arg22 : memref<!tpu.dma_semaphore, #tpu.memory_space<semaphore_mem>>) src(%arg5 : memref<10xf32, #tpu.memory_space<hbm>>) dst(%dma_wait3A_80 : memref<10xf32, #tpu.memory_space<vmem>>)
    %dma_wait3A_81 = arith.constant 32 : i32
    %dma_wait3A_82 = tpu.memref_slice %arg20[%dma_wait3A_81] : memref<208xf32, #tpu.memory_space<vmem>> -> memref<2xf32, #tpu.memory_space<vmem>>
    %dma_wait3A_83 = arith.constant 32 : i32
    %dma_wait3A_84 = tpu.memref_slice %arg20[%dma_wait3A_83] : memref<208xf32, #tpu.memory_space<vmem>> -> memref<2xf32, #tpu.memory_space<vmem>>
    tpu.wait_dma2 semaphore(%arg22 : memref<!tpu.dma_semaphore, #tpu.memory_space<semaphore_mem>>) src(%arg6 : memref<2xf32, #tpu.memory_space<hbm>>) dst(%dma_wait3A_84 : memref<2xf32, #tpu.memory_space<vmem>>)
    %dma_wait3A_85 = arith.constant 48 : i32
    %dma_wait3A_86 = tpu.memref_slice %arg20[%dma_wait3A_85] : memref<208xf32, #tpu.memory_space<vmem>> -> memref<1xf32, #tpu.memory_space<vmem>>
    %dma_wait3A_87 = arith.constant 48 : i32
    %dma_wait3A_88 = tpu.memref_slice %arg20[%dma_wait3A_87] : memref<208xf32, #tpu.memory_space<vmem>> -> memref<1xf32, #tpu.memory_space<vmem>>
    tpu.wait_dma2 semaphore(%arg22 : memref<!tpu.dma_semaphore, #tpu.memory_space<semaphore_mem>>) src(%arg7 : memref<1xf32, #tpu.memory_space<hbm>>) dst(%dma_wait3A_88 : memref<1xf32, #tpu.memory_space<vmem>>)
    %dma_wait3A_89 = arith.constant 64 : i32
    %dma_wait3A_90 = tpu.memref_slice %arg20[%dma_wait3A_89] : memref<208xf32, #tpu.memory_space<vmem>> -> memref<1xf32, #tpu.memory_space<vmem>>
    %dma_wait3A_91 = arith.constant 64 : i32
    %dma_wait3A_92 = tpu.memref_slice %arg20[%dma_wait3A_91] : memref<208xf32, #tpu.memory_space<vmem>> -> memref<1xf32, #tpu.memory_space<vmem>>
    tpu.wait_dma2 semaphore(%arg22 : memref<!tpu.dma_semaphore, #tpu.memory_space<semaphore_mem>>) src(%arg8 : memref<1xf32, #tpu.memory_space<hbm>>) dst(%dma_wait3A_92 : memref<1xf32, #tpu.memory_space<vmem>>)
    %dma_wait3A_93 = arith.constant 80 : i32
    %dma_wait3A_94 = tpu.memref_slice %arg20[%dma_wait3A_93] : memref<208xf32, #tpu.memory_space<vmem>> -> memref<1xf32, #tpu.memory_space<vmem>>
    %dma_wait3A_95 = arith.constant 80 : i32
    %dma_wait3A_96 = tpu.memref_slice %arg20[%dma_wait3A_95] : memref<208xf32, #tpu.memory_space<vmem>> -> memref<1xf32, #tpu.memory_space<vmem>>
    tpu.wait_dma2 semaphore(%arg22 : memref<!tpu.dma_semaphore, #tpu.memory_space<semaphore_mem>>) src(%arg9 : memref<1xf32, #tpu.memory_space<hbm>>) dst(%dma_wait3A_96 : memref<1xf32, #tpu.memory_space<vmem>>)
    %dma_wait3A_97 = arith.constant 96 : i32
    %dma_wait3A_98 = tpu.memref_slice %arg20[%dma_wait3A_97] : memref<208xf32, #tpu.memory_space<vmem>> -> memref<1xf32, #tpu.memory_space<vmem>>
    %dma_wait3A_99 = arith.constant 96 : i32
    %dma_wait3A_100 = tpu.memref_slice %arg20[%dma_wait3A_99] : memref<208xf32, #tpu.memory_space<vmem>> -> memref<1xf32, #tpu.memory_space<vmem>>
    tpu.wait_dma2 semaphore(%arg22 : memref<!tpu.dma_semaphore, #tpu.memory_space<semaphore_mem>>) src(%arg10 : memref<1xf32, #tpu.memory_space<hbm>>) dst(%dma_wait3A_100 : memref<1xf32, #tpu.memory_space<vmem>>)
    %dma_wait3A_101 = arith.constant 112 : i32
    %dma_wait3A_102 = tpu.memref_slice %arg20[%dma_wait3A_101] : memref<208xf32, #tpu.memory_space<vmem>> -> memref<2xf32, #tpu.memory_space<vmem>>
    %dma_wait3A_103 = arith.constant 112 : i32
    %dma_wait3A_104 = tpu.memref_slice %arg20[%dma_wait3A_103] : memref<208xf32, #tpu.memory_space<vmem>> -> memref<2xf32, #tpu.memory_space<vmem>>
    tpu.wait_dma2 semaphore(%arg22 : memref<!tpu.dma_semaphore, #tpu.memory_space<semaphore_mem>>) src(%arg11 : memref<2xf32, #tpu.memory_space<hbm>>) dst(%dma_wait3A_104 : memref<2xf32, #tpu.memory_space<vmem>>)
    %dma_wait3A_105 = arith.constant 128 : i32
    %dma_wait3A_106 = tpu.memref_slice %arg20[%dma_wait3A_105] : memref<208xf32, #tpu.memory_space<vmem>> -> memref<1xf32, #tpu.memory_space<vmem>>
    %dma_wait3A_107 = arith.constant 128 : i32
    %dma_wait3A_108 = tpu.memref_slice %arg20[%dma_wait3A_107] : memref<208xf32, #tpu.memory_space<vmem>> -> memref<1xf32, #tpu.memory_space<vmem>>
    tpu.wait_dma2 semaphore(%arg22 : memref<!tpu.dma_semaphore, #tpu.memory_space<semaphore_mem>>) src(%arg12 : memref<1xf32, #tpu.memory_space<hbm>>) dst(%dma_wait3A_108 : memref<1xf32, #tpu.memory_space<vmem>>)
    %dma_wait3A_109 = arith.constant 144 : i32
    %dma_wait3A_110 = tpu.memref_slice %arg20[%dma_wait3A_109] : memref<208xf32, #tpu.memory_space<vmem>> -> memref<1xf32, #tpu.memory_space<vmem>>
    %dma_wait3A_111 = arith.constant 144 : i32
    %dma_wait3A_112 = tpu.memref_slice %arg20[%dma_wait3A_111] : memref<208xf32, #tpu.memory_space<vmem>> -> memref<1xf32, #tpu.memory_space<vmem>>
    tpu.wait_dma2 semaphore(%arg22 : memref<!tpu.dma_semaphore, #tpu.memory_space<semaphore_mem>>) src(%arg13 : memref<1xf32, #tpu.memory_space<hbm>>) dst(%dma_wait3A_112 : memref<1xf32, #tpu.memory_space<vmem>>)
    %dma_wait3A_113 = arith.constant 160 : i32
    %dma_wait3A_114 = tpu.memref_slice %arg20[%dma_wait3A_113] : memref<208xf32, #tpu.memory_space<vmem>> -> memref<2xf32, #tpu.memory_space<vmem>>
    %dma_wait3A_115 = arith.constant 160 : i32
    %dma_wait3A_116 = tpu.memref_slice %arg20[%dma_wait3A_115] : memref<208xf32, #tpu.memory_space<vmem>> -> memref<2xf32, #tpu.memory_space<vmem>>
    tpu.wait_dma2 semaphore(%arg22 : memref<!tpu.dma_semaphore, #tpu.memory_space<semaphore_mem>>) src(%arg14 : memref<2xf32, #tpu.memory_space<hbm>>) dst(%dma_wait3A_116 : memref<2xf32, #tpu.memory_space<vmem>>)
    %dma_wait3A_117 = arith.constant 176 : i32
    %dma_wait3A_118 = tpu.memref_slice %arg20[%dma_wait3A_117] : memref<208xf32, #tpu.memory_space<vmem>> -> memref<2xf32, #tpu.memory_space<vmem>>
    %dma_wait3A_119 = arith.constant 176 : i32
    %dma_wait3A_120 = tpu.memref_slice %arg20[%dma_wait3A_119] : memref<208xf32, #tpu.memory_space<vmem>> -> memref<2xf32, #tpu.memory_space<vmem>>
    tpu.wait_dma2 semaphore(%arg22 : memref<!tpu.dma_semaphore, #tpu.memory_space<semaphore_mem>>) src(%arg15 : memref<2xf32, #tpu.memory_space<hbm>>) dst(%dma_wait3A_120 : memref<2xf32, #tpu.memory_space<vmem>>)
    %broadcast_in_dim3A = arith.constant 192 : i32
    %broadcast_in_dim3A_121 = vector.broadcast %broadcast_in_dim3A : i32 to vector<16xi32>
    %gather3A = tpu.vector_load_idx %arg20[%broadcast_in_dim3A_121] : memref<208xf32, #tpu.memory_space<vmem>>[vector<16xi32>], vector<16xf32>,
    %scan3A = arith.constant 0 : i32
    %scan3A_122 = arith.constant 32 : i32
    %scan3A_123 = arith.addi %scan3A, %scan3A_122 : i32
    %scan3A_124 = arith.constant 1 : i32
    scf.for %scan3A_126 = %scan3A to %scan3A_123 step %scan3A_124  : i32 {
      %mul3A_127 = arith.constant 1 : i32
      %mul3A_128 = arith.muli %scan3A_126, %mul3A_127 : i32
      %add3A_129 = arith.constant 0 : i32
      %add3A_130 = arith.addi %add3A_129, %mul3A_128 : i32
      %mul3A_131 = arith.constant 16 : i32
      %mul3A_132 = arith.muli %add3A_130, %mul3A_131 : i32
      %get3A = arith.constant 0 : i32
      %get3A_133 = arith.index_cast %get3A : i32 to index
      %get3A_134 = arith.index_cast %mul3A_132 : i32 to index
      %get3A_135 = tpu.vector_load %arg18[%get3A_133, %get3A_134] {strides = array<i32>} : memref<12x512xi32, #tpu.memory_space<vmem>>, vector<16xi32>,
      %mul3A_136 = arith.constant 16 : i32
      %mul3A_137 = arith.muli %add3A_130, %mul3A_136 : i32
      %get3A_138 = arith.constant 0 : i32
      %get3A_139 = arith.index_cast %get3A_138 : i32 to index
      %get3A_140 = arith.index_cast %mul3A_137 : i32 to index
      %get3A_141 = tpu.vector_load %arg19[%get3A_139, %get3A_140] {strides = array<i32>} : memref<12x512xf32, #tpu.memory_space<vmem>>, vector<16xf32>,
      %add3A_142 = arith.constant 0 : i32
      %add3A_143 = vector.broadcast %add3A_142 : i32 to vector<16xi32>
      %add3A_144 = arith.addi %get3A_135, %add3A_143 : vector<16xi32>
      %gather3A_145 = tpu.vector_load_idx %arg20[%add3A_144] : memref<208xf32, #tpu.memory_space<vmem>>[vector<16xi32>], vector<16xf32>,
      %mul3A_146 = arith.mulf %get3A_141, %gather3A_145 : vector<16xf32>
      %add3A_147 = arith.addf %gather3A, %mul3A_146 : vector<16xf32>
      %mul3A_148 = arith.constant 16 : i32
      %mul3A_149 = arith.muli %add3A_130, %mul3A_148 : i32
      %get3A_150 = arith.constant 1 : i32
      %get3A_151 = arith.index_cast %get3A_150 : i32 to index
      %get3A_152 = arith.index_cast %mul3A_149 : i32 to index
      %get3A_153 = tpu.vector_load %arg18[%get3A_151, %get3A_152] {strides = array<i32>} : memref<12x512xi32, #tpu.memory_space<vmem>>, vector<16xi32>,
      %mul3A_154 = arith.constant 16 : i32
      %mul3A_155 = arith.muli %add3A_130, %mul3A_154 : i32
      %get3A_156 = arith.constant 1 : i32
      %get3A_157 = arith.index_cast %get3A_156 : i32 to index
      %get3A_158 = arith.index_cast %mul3A_155 : i32 to index
      %get3A_159 = tpu.vector_load %arg19[%get3A_157, %get3A_158] {strides = array<i32>} : memref<12x512xf32, #tpu.memory_space<vmem>>, vector<16xf32>,
      %add3A_160 = arith.constant 16 : i32
      %add3A_161 = vector.broadcast %add3A_160 : i32 to vector<16xi32>
      %add3A_162 = arith.addi %get3A_153, %add3A_161 : vector<16xi32>
      %gather3A_163 = tpu.vector_load_idx %arg20[%add3A_162] : memref<208xf32, #tpu.memory_space<vmem>>[vector<16xi32>], vector<16xf32>,
      %mul3A_164 = arith.mulf %get3A_159, %gather3A_163 : vector<16xf32>
      %add3A_165 = arith.addf %add3A_147, %mul3A_164 : vector<16xf32>
      %mul3A_166 = arith.constant 16 : i32
      %mul3A_167 = arith.muli %add3A_130, %mul3A_166 : i32
      %get3A_168 = arith.constant 2 : i32
      %get3A_169 = arith.index_cast %get3A_168 : i32 to index
      %get3A_170 = arith.index_cast %mul3A_167 : i32 to index
      %get3A_171 = tpu.vector_load %arg18[%get3A_169, %get3A_170] {strides = array<i32>} : memref<12x512xi32, #tpu.memory_space<vmem>>, vector<16xi32>,
      %mul3A_172 = arith.constant 16 : i32
      %mul3A_173 = arith.muli %add3A_130, %mul3A_172 : i32
      %get3A_174 = arith.constant 2 : i32
      %get3A_175 = arith.index_cast %get3A_174 : i32 to index
      %get3A_176 = arith.index_cast %mul3A_173 : i32 to index
      %get3A_177 = tpu.vector_load %arg19[%get3A_175, %get3A_176] {strides = array<i32>} : memref<12x512xf32, #tpu.memory_space<vmem>>, vector<16xf32>,
      %add3A_178 = arith.constant 32 : i32
      %add3A_179 = vector.broadcast %add3A_178 : i32 to vector<16xi32>
      %add3A_180 = arith.addi %get3A_171, %add3A_179 : vector<16xi32>
      %gather3A_181 = tpu.vector_load_idx %arg20[%add3A_180] : memref<208xf32, #tpu.memory_space<vmem>>[vector<16xi32>], vector<16xf32>,
      %mul3A_182 = arith.mulf %get3A_177, %gather3A_181 : vector<16xf32>
      %add3A_183 = arith.addf %add3A_165, %mul3A_182 : vector<16xf32>
      %mul3A_184 = arith.constant 16 : i32
      %mul3A_185 = arith.muli %add3A_130, %mul3A_184 : i32
      %get3A_186 = arith.constant 3 : i32
      %get3A_187 = arith.index_cast %get3A_186 : i32 to index
      %get3A_188 = arith.index_cast %mul3A_185 : i32 to index
      %get3A_189 = tpu.vector_load %arg18[%get3A_187, %get3A_188] {strides = array<i32>} : memref<12x512xi32, #tpu.memory_space<vmem>>, vector<16xi32>,
      %mul3A_190 = arith.constant 16 : i32
      %mul3A_191 = arith.muli %add3A_130, %mul3A_190 : i32
      %get3A_192 = arith.constant 3 : i32
      %get3A_193 = arith.index_cast %get3A_192 : i32 to index
      %get3A_194 = arith.index_cast %mul3A_191 : i32 to index
      %get3A_195 = tpu.vector_load %arg19[%get3A_193, %get3A_194] {strides = array<i32>} : memref<12x512xf32, #tpu.memory_space<vmem>>, vector<16xf32>,
      %add3A_196 = arith.constant 48 : i32
      %add3A_197 = vector.broadcast %add3A_196 : i32 to vector<16xi32>
      %add3A_198 = arith.addi %get3A_189, %add3A_197 : vector<16xi32>
      %gather3A_199 = tpu.vector_load_idx %arg20[%add3A_198] : memref<208xf32, #tpu.memory_space<vmem>>[vector<16xi32>], vector<16xf32>,
      %mul3A_200 = arith.mulf %get3A_195, %gather3A_199 : vector<16xf32>
      %add3A_201 = arith.addf %add3A_183, %mul3A_200 : vector<16xf32>
      %mul3A_202 = arith.constant 16 : i32
      %mul3A_203 = arith.muli %add3A_130, %mul3A_202 : i32
      %get3A_204 = arith.constant 4 : i32
      %get3A_205 = arith.index_cast %get3A_204 : i32 to index
      %get3A_206 = arith.index_cast %mul3A_203 : i32 to index
      %get3A_207 = tpu.vector_load %arg18[%get3A_205, %get3A_206] {strides = array<i32>} : memref<12x512xi32, #tpu.memory_space<vmem>>, vector<16xi32>,
      %mul3A_208 = arith.constant 16 : i32
      %mul3A_209 = arith.muli %add3A_130, %mul3A_208 : i32
      %get3A_210 = arith.constant 4 : i32
      %get3A_211 = arith.index_cast %get3A_210 : i32 to index
      %get3A_212 = arith.index_cast %mul3A_209 : i32 to index
      %get3A_213 = tpu.vector_load %arg19[%get3A_211, %get3A_212] {strides = array<i32>} : memref<12x512xf32, #tpu.memory_space<vmem>>, vector<16xf32>,
      %add3A_214 = arith.constant 64 : i32
      %add3A_215 = vector.broadcast %add3A_214 : i32 to vector<16xi32>
      %add3A_216 = arith.addi %get3A_207, %add3A_215 : vector<16xi32>
      %gather3A_217 = tpu.vector_load_idx %arg20[%add3A_216] : memref<208xf32, #tpu.memory_space<vmem>>[vector<16xi32>], vector<16xf32>,
      %mul3A_218 = arith.mulf %get3A_213, %gather3A_217 : vector<16xf32>
      %add3A_219 = arith.addf %add3A_201, %mul3A_218 : vector<16xf32>
      %mul3A_220 = arith.constant 16 : i32
      %mul3A_221 = arith.muli %add3A_130, %mul3A_220 : i32
      %get3A_222 = arith.constant 5 : i32
      %get3A_223 = arith.index_cast %get3A_222 : i32 to index
      %get3A_224 = arith.index_cast %mul3A_221 : i32 to index
      %get3A_225 = tpu.vector_load %arg18[%get3A_223, %get3A_224] {strides = array<i32>} : memref<12x512xi32, #tpu.memory_space<vmem>>, vector<16xi32>,
      %mul3A_226 = arith.constant 16 : i32
      %mul3A_227 = arith.muli %add3A_130, %mul3A_226 : i32
      %get3A_228 = arith.constant 5 : i32
      %get3A_229 = arith.index_cast %get3A_228 : i32 to index
      %get3A_230 = arith.index_cast %mul3A_227 : i32 to index
      %get3A_231 = tpu.vector_load %arg19[%get3A_229, %get3A_230] {strides = array<i32>} : memref<12x512xf32, #tpu.memory_space<vmem>>, vector<16xf32>,
      %add3A_232 = arith.constant 80 : i32
      %add3A_233 = vector.broadcast %add3A_232 : i32 to vector<16xi32>
      %add3A_234 = arith.addi %get3A_225, %add3A_233 : vector<16xi32>
      %gather3A_235 = tpu.vector_load_idx %arg20[%add3A_234] : memref<208xf32, #tpu.memory_space<vmem>>[vector<16xi32>], vector<16xf32>,
      %mul3A_236 = arith.mulf %get3A_231, %gather3A_235 : vector<16xf32>
      %add3A_237 = arith.addf %add3A_219, %mul3A_236 : vector<16xf32>
      %mul3A_238 = arith.constant 16 : i32
      %mul3A_239 = arith.muli %add3A_130, %mul3A_238 : i32
      %get3A_240 = arith.constant 6 : i32
      %get3A_241 = arith.index_cast %get3A_240 : i32 to index
      %get3A_242 = arith.index_cast %mul3A_239 : i32 to index
      %get3A_243 = tpu.vector_load %arg18[%get3A_241, %get3A_242] {strides = array<i32>} : memref<12x512xi32, #tpu.memory_space<vmem>>, vector<16xi32>,
      %mul3A_244 = arith.constant 16 : i32
      %mul3A_245 = arith.muli %add3A_130, %mul3A_244 : i32
      %get3A_246 = arith.constant 6 : i32
      %get3A_247 = arith.index_cast %get3A_246 : i32 to index
      %get3A_248 = arith.index_cast %mul3A_245 : i32 to index
      %get3A_249 = tpu.vector_load %arg19[%get3A_247, %get3A_248] {strides = array<i32>} : memref<12x512xf32, #tpu.memory_space<vmem>>, vector<16xf32>,
      %add3A_250 = arith.constant 96 : i32
      %add3A_251 = vector.broadcast %add3A_250 : i32 to vector<16xi32>
      %add3A_252 = arith.addi %get3A_243, %add3A_251 : vector<16xi32>
      %gather3A_253 = tpu.vector_load_idx %arg20[%add3A_252] : memref<208xf32, #tpu.memory_space<vmem>>[vector<16xi32>], vector<16xf32>,
      %mul3A_254 = arith.mulf %get3A_249, %gather3A_253 : vector<16xf32>
      %add3A_255 = arith.addf %add3A_237, %mul3A_254 : vector<16xf32>
      %mul3A_256 = arith.constant 16 : i32
      %mul3A_257 = arith.muli %add3A_130, %mul3A_256 : i32
      %get3A_258 = arith.constant 7 : i32
      %get3A_259 = arith.index_cast %get3A_258 : i32 to index
      %get3A_260 = arith.index_cast %mul3A_257 : i32 to index
      %get3A_261 = tpu.vector_load %arg18[%get3A_259, %get3A_260] {strides = array<i32>} : memref<12x512xi32, #tpu.memory_space<vmem>>, vector<16xi32>,
      %mul3A_262 = arith.constant 16 : i32
      %mul3A_263 = arith.muli %add3A_130, %mul3A_262 : i32
      %get3A_264 = arith.constant 7 : i32
      %get3A_265 = arith.index_cast %get3A_264 : i32 to index
      %get3A_266 = arith.index_cast %mul3A_263 : i32 to index
      %get3A_267 = tpu.vector_load %arg19[%get3A_265, %get3A_266] {strides = array<i32>} : memref<12x512xf32, #tpu.memory_space<vmem>>, vector<16xf32>,
      %add3A_268 = arith.constant 112 : i32
      %add3A_269 = vector.broadcast %add3A_268 : i32 to vector<16xi32>
      %add3A_270 = arith.addi %get3A_261, %add3A_269 : vector<16xi32>
      %gather3A_271 = tpu.vector_load_idx %arg20[%add3A_270] : memref<208xf32, #tpu.memory_space<vmem>>[vector<16xi32>], vector<16xf32>,
      %mul3A_272 = arith.mulf %get3A_267, %gather3A_271 : vector<16xf32>
      %add3A_273 = arith.addf %add3A_255, %mul3A_272 : vector<16xf32>
      %mul3A_274 = arith.constant 16 : i32
      %mul3A_275 = arith.muli %add3A_130, %mul3A_274 : i32
      %get3A_276 = arith.constant 8 : i32
      %get3A_277 = arith.index_cast %get3A_276 : i32 to index
      %get3A_278 = arith.index_cast %mul3A_275 : i32 to index
      %get3A_279 = tpu.vector_load %arg18[%get3A_277, %get3A_278] {strides = array<i32>} : memref<12x512xi32, #tpu.memory_space<vmem>>, vector<16xi32>,
      %mul3A_280 = arith.constant 16 : i32
      %mul3A_281 = arith.muli %add3A_130, %mul3A_280 : i32
      %get3A_282 = arith.constant 8 : i32
      %get3A_283 = arith.index_cast %get3A_282 : i32 to index
      %get3A_284 = arith.index_cast %mul3A_281 : i32 to index
      %get3A_285 = tpu.vector_load %arg19[%get3A_283, %get3A_284] {strides = array<i32>} : memref<12x512xf32, #tpu.memory_space<vmem>>, vector<16xf32>,
      %add3A_286 = arith.constant 128 : i32
      %add3A_287 = vector.broadcast %add3A_286 : i32 to vector<16xi32>
      %add3A_288 = arith.addi %get3A_279, %add3A_287 : vector<16xi32>
      %gather3A_289 = tpu.vector_load_idx %arg20[%add3A_288] : memref<208xf32, #tpu.memory_space<vmem>>[vector<16xi32>], vector<16xf32>,
      %mul3A_290 = arith.mulf %get3A_285, %gather3A_289 : vector<16xf32>
      %add3A_291 = arith.addf %add3A_273, %mul3A_290 : vector<16xf32>
      %mul3A_292 = arith.constant 16 : i32
      %mul3A_293 = arith.muli %add3A_130, %mul3A_292 : i32
      %get3A_294 = arith.constant 9 : i32
      %get3A_295 = arith.index_cast %get3A_294 : i32 to index
      %get3A_296 = arith.index_cast %mul3A_293 : i32 to index
      %get3A_297 = tpu.vector_load %arg18[%get3A_295, %get3A_296] {strides = array<i32>} : memref<12x512xi32, #tpu.memory_space<vmem>>, vector<16xi32>,
      %mul3A_298 = arith.constant 16 : i32
      %mul3A_299 = arith.muli %add3A_130, %mul3A_298 : i32
      %get3A_300 = arith.constant 9 : i32
      %get3A_301 = arith.index_cast %get3A_300 : i32 to index
      %get3A_302 = arith.index_cast %mul3A_299 : i32 to index
      %get3A_303 = tpu.vector_load %arg19[%get3A_301, %get3A_302] {strides = array<i32>} : memref<12x512xf32, #tpu.memory_space<vmem>>, vector<16xf32>,
      %add3A_304 = arith.constant 144 : i32
      %add3A_305 = vector.broadcast %add3A_304 : i32 to vector<16xi32>
      %add3A_306 = arith.addi %get3A_297, %add3A_305 : vector<16xi32>
      %gather3A_307 = tpu.vector_load_idx %arg20[%add3A_306] : memref<208xf32, #tpu.memory_space<vmem>>[vector<16xi32>], vector<16xf32>,
      %mul3A_308 = arith.mulf %get3A_303, %gather3A_307 : vector<16xf32>
      %add3A_309 = arith.addf %add3A_291, %mul3A_308 : vector<16xf32>
      %mul3A_310 = arith.constant 16 : i32
      %mul3A_311 = arith.muli %add3A_130, %mul3A_310 : i32
      %get3A_312 = arith.constant 10 : i32
      %get3A_313 = arith.index_cast %get3A_312 : i32 to index
      %get3A_314 = arith.index_cast %mul3A_311 : i32 to index
      %get3A_315 = tpu.vector_load %arg18[%get3A_313, %get3A_314] {strides = array<i32>} : memref<12x512xi32, #tpu.memory_space<vmem>>, vector<16xi32>,
      %mul3A_316 = arith.constant 16 : i32
      %mul3A_317 = arith.muli %add3A_130, %mul3A_316 : i32
      %get3A_318 = arith.constant 10 : i32
      %get3A_319 = arith.index_cast %get3A_318 : i32 to index
      %get3A_320 = arith.index_cast %mul3A_317 : i32 to index
      %get3A_321 = tpu.vector_load %arg19[%get3A_319, %get3A_320] {strides = array<i32>} : memref<12x512xf32, #tpu.memory_space<vmem>>, vector<16xf32>,
      %add3A_322 = arith.constant 160 : i32
      %add3A_323 = vector.broadcast %add3A_322 : i32 to vector<16xi32>
      %add3A_324 = arith.addi %get3A_315, %add3A_323 : vector<16xi32>
      %gather3A_325 = tpu.vector_load_idx %arg20[%add3A_324] : memref<208xf32, #tpu.memory_space<vmem>>[vector<16xi32>], vector<16xf32>,
      %mul3A_326 = arith.mulf %get3A_321, %gather3A_325 : vector<16xf32>
      %add3A_327 = arith.addf %add3A_309, %mul3A_326 : vector<16xf32>
      %mul3A_328 = arith.constant 16 : i32
      %mul3A_329 = arith.muli %add3A_130, %mul3A_328 : i32
      %get3A_330 = arith.constant 11 : i32
      %get3A_331 = arith.index_cast %get3A_330 : i32 to index
      %get3A_332 = arith.index_cast %mul3A_329 : i32 to index
      %get3A_333 = tpu.vector_load %arg18[%get3A_331, %get3A_332] {strides = array<i32>} : memref<12x512xi32, #tpu.memory_space<vmem>>, vector<16xi32>,
      %mul3A_334 = arith.constant 16 : i32
      %mul3A_335 = arith.muli %add3A_130, %mul3A_334 : i32
      %get3A_336 = arith.constant 11 : i32
      %get3A_337 = arith.index_cast %get3A_336 : i32 to index
      %get3A_338 = arith.index_cast %mul3A_335 : i32 to index
      %get3A_339 = tpu.vector_load %arg19[%get3A_337, %get3A_338] {strides = array<i32>} : memref<12x512xf32, #tpu.memory_space<vmem>>, vector<16xf32>,
      %add3A_340 = arith.constant 176 : i32
      %add3A_341 = vector.broadcast %add3A_340 : i32 to vector<16xi32>
      %add3A_342 = arith.addi %get3A_333, %add3A_341 : vector<16xi32>
      %gather3A_343 = tpu.vector_load_idx %arg20[%add3A_342] : memref<208xf32, #tpu.memory_space<vmem>>[vector<16xi32>], vector<16xf32>,
      %mul3A_344 = arith.mulf %get3A_339, %gather3A_343 : vector<16xf32>
      %add3A_345 = arith.addf %add3A_327, %mul3A_344 : vector<16xf32>
      %mul3A_346 = arith.constant 16 : i32
      %mul3A_347 = arith.muli %add3A_130, %mul3A_346 : i32
      %swap3A = arith.index_cast %mul3A_347 : i32 to index
      %swap3A_348 = tpu.vector_load %arg21[%swap3A] {strides = array<i32>} : memref<512xf32, #tpu.memory_space<vmem>>, vector<16xf32>,
      tpu.vector_store %arg21[%swap3A], %add3A_345 {strides = array<i32>} : memref<512xf32, #tpu.memory_space<vmem>>, vector<16xf32>,
    }
    %scan3A_125 = arith.constant 32 : i32
    "tpu.region"() ({
      %run_scoped3A = tpu.sem_alloc : memref<!tpu.dma_semaphore, #tpu.memory_space<semaphore_mem>>
      %dma_start3A_126 = tpu.memref_slice %arg17[%mul3A_2] : memref<16384xf32, #tpu.memory_space<hbm>> -> memref<512xf32, #tpu.memory_space<hbm>>
      %dma_start3A_127 = tpu.memref_slice %arg17[%mul3A_2] : memref<16384xf32, #tpu.memory_space<hbm>> -> memref<512xf32, #tpu.memory_space<hbm>>
      tpu.enqueue_dma source(%arg21 : memref<512xf32, #tpu.memory_space<vmem>>) target(%dma_start3A_127 : memref<512xf32, #tpu.memory_space<hbm>>) target_semaphore(%run_scoped3A : memref<!tpu.dma_semaphore, #tpu.memory_space<semaphore_mem>>)
      %dma_wait3A_128 = tpu.memref_slice %arg17[%mul3A_2] : memref<16384xf32, #tpu.memory_space<hbm>> -> memref<512xf32, #tpu.memory_space<hbm>>
      %dma_wait3A_129 = tpu.memref_slice %arg17[%mul3A_2] : memref<16384xf32, #tpu.memory_space<hbm>> -> memref<512xf32, #tpu.memory_space<hbm>>
      tpu.wait_dma2 semaphore(%run_scoped3A : memref<!tpu.dma_semaphore, #tpu.memory_space<semaphore_mem>>) src(%arg21 : memref<512xf32, #tpu.memory_space<vmem>>) dst(%dma_wait3A_129 : memref<512xf32, #tpu.memory_space<hbm>>)
      tpu.yield
    }) : () -> ()
    return
  }
}

</mosaic_0001>

<sc_bundles>
// kernel: kernel.3.cloned.1.call-start
scs
__scs_entry_jumppad:
0x0: {  	(pc) =	sbr.rel $0x88, $3  }
0x1: {  	(tag) =	ssettag $0x0;
	lr =	simm.s32 $0x1  }
0x2: {  	[smem:$0x3F92] =	sst lr;
	_ =	strace $0xD0000000  }
0x3: {  	_ = 	snop  }
0x4: {  	_ = 	snop  }
0x5: {  	_ = 	snop  }
0x6: {  	_ = 	snop  }
0x7: {  	_ = 	snop  }
__scs_overlays_trampoline_lowered:
0x8: {  	[smem:$0x3FA1] =	sst s0  }
0x9: {  	[smem:$0x3FA2] =	sst s1  }
0xa: {  	[smem:$0x3FA3] =	sst s2  }
0xb: {  	[smem:$0x3FA4] =	sst s3  }
0xc: {  	[smem:$0x3FA5] =	sst s4  }
0xd: {  	[smem:$0x3FA6] =	sst s5  }
0xe: {  	[smem:$0x3FA7] =	sst s6  }
0xf: {  	[smem:$0x3FA8] =	sst s7  }
0x10: {  	[smem:$0x3FA9] =	sst s8  }
0x11: {  	[smem:$0x3FAA] =	sst s9;
	s0 =	simm.s32 @!p0 $0x0  }
0x12: {  	s1 =	sld [smem:$0x3F90];
	s0 =	simm.s32 @p0 $0x1  }
0x13: {  	[smem:$0x3FAB] =	sst s0;
	s0 =	simm.s32 @!p1 $0x0  }
0x14: {  	s2 =	sld [smem:$0x3F8F];
	s0 =	simm.s32 @p1 $0x1  }
0x15: {  	[smem:$0x3FAC] =	sst s0;
	s0 =	simm.s32 @!p2 $0x0  }
0x16: {  	s3 =	sld [smem:$0x3FDB];
	s0 =	simm.s32 @p2 $0x1  }
0x17: {  	s4 =	simm.s32 $0x1BF5;
	[smem:$0x3FAE] =	sst s0  }
0x18: {  	s0 =	sld [smem:$0x3F91];
	_ =	swait.ge [sflag:s4], $0x0  }
0x19: {  	s7 =	sld [smem:$0x3F92]  }
0x1a: {  	s8 =	sadd.s32 $0xFFFFE003, lr  }
0x1b: {  	s9 =	sadd.s32 $0xFFFFFEF7, lr;
	s5 =	simm.s32 $0xFFFFFFFF;
	p2 =	slt.u32 s8, $0xFFFFF086  }
0x1c: {  	p1 =	slt.u32 s9, $0xF7A;
	s5 =	simm.s32 @!p2 $0x0  }
0x1d: {  	s5 =	simm.s32 @p1 $0x1;
	p0 =	seq.s32 s7, s2  }
0x1e: {  	s7 =	smul.u32 @!p0 $0xF7A, s2;
	p2 =	seq.s32 @!p0 s5, $0x0  }
0x1f: {  	s9 =	smul.u32 $0xF7A, s1;
	s8 =	simm.s32 @!p0 $0x1BF5;
	p2 =	por !p2, p0  }
0x20: {  	[sflag:s8] =	ssyncset.s32 @!p0 $0xFFFFF086;
	s6 =	sadd.s32 @!p0 s3, s7;
	s7 =	simm.s32 @!p0 $0x108  }
0x21: {  	s3 =	sadd.s32 s3, s9;
	s6 =	sadd.s32 @!p0 $0x88, s6;
	s7 =	simm.s32 @p2 $0x1082  }
0x22: {  	[simem:s7], [sflag:s8] =	dma.local @!p0 [hbm:s6], $0xF7A  }
0x23: {  	s9 =	sor.u32 $0xD0000000, s2;
	s6 =	simm.s32 $0x108;
	_ =	swait.ge @!p0 [sflag:s8], $0x0  }
0x24: {  	s3 =	sadd.s32 $0x88, s3;
	s6 =	simm.s32 @!p1 $0x1082;
	[sflag:s4] =	ssyncset.s32 $0xFFFFF086  }
0x25: {  	[simem:s6], [sflag:s4] =	dma.local [hbm:s3], $0xF7A  }
0x26: {  	[smem:$0x3F92] =	sst s1;
	(tag) =	ssettag s2;
	_ =	strace s9  }
0x27: {  	s1 =	sld [smem:$0x3FA2]  }
0x28: {  	s2 =	sld [smem:$0x3FA3]  }
0x29: {  	s4 =	sld [smem:$0x3FA5]  }
0x2a: {  	p0 =	seq.s32 s5, $0x0;
	s5 =	sld [smem:$0x3FA6]  }
0x2b: {  	s6 =	sld [smem:$0x3FA7]  }
0x2c: {  	s7 =	sld [smem:$0x3FA8]  }
0x2d: {  	s3 =	simm.s32 $0x108;
	s8 =	sld [smem:$0x3FA9]  }
0x2e: {  	s3 =	simm.s32 @!p0 $0x1082;
	s9 =	sld [smem:$0x3FAA]  }
0x2f: {  	lr =	sadd.s32 s0, s3;
	s0 =	sld [smem:$0x3FA1]  }
0x30: {  	s3 =	sld [smem:$0x3FA4]  }
0x31: {  	[smem:$0x3FAD] =	sst s10  }
0x32: {  	s10 =	sld [smem:$0x3FAB];
	_ =	sdelay $0x3  }
0x33: {  	p0 =	seq.s32 s10, $0x1;
	s10 =	sld [smem:$0x3FAD];
	_ =	sdelay $0x3  }
0x34: {  	[smem:$0x3FAD] =	sst s10  }
0x35: {  	s10 =	sld [smem:$0x3FAC];
	_ =	sdelay $0x3  }
0x36: {  	p1 =	seq.s32 s10, $0x1;
	s10 =	sld [smem:$0x3FAD];
	_ =	sdelay $0x3  }
0x37: {  	[smem:$0x3FAD] =	sst s10  }
0x38: {  	s10 =	sld [smem:$0x3FAE]  }
0x39: {  	_ = 	snop;
	(pc) =	sbr.ind lr, $3  }
0x3a: {  	_ = 	snop  }
0x3b: {  	_ = 	snop  }
0x3c: {  	p2 =	seq.s32 s10, $0x1;
	s10 =	sld [smem:$0x3FAD]  }
0x3d: {  	_ =	shalt  }
0x3e: {  	_ =	shalt  }
0x3f: {  	_ =	shalt  }
0x40: {  	_ =	shalt  }
0x41: {  	_ =	shalt  }
0x42: {  	_ =	shalt  }
0x43: {  	_ =	shalt  }
0x44: {  	_ =	shalt  }
0x45: {  	_ =	shalt  }
0x46: {  	_ =	shalt  }
0x47: {  	_ =	shalt  }
0x48: {  	_ =	shalt  }
0x49: {  	_ =	shalt  }
0x4a: {  	_ =	shalt  }
0x4b: {  	_ =	shalt  }
0x4c: {  	_ =	shalt  }
0x4d: {  	_ =	shalt  }
0x4e: {  	_ =	shalt  }
0x4f: {  	_ =	shalt  }
0x50: {  	_ =	shalt  }
0x51: {  	_ =	shalt  }
0x52: {  	_ =	shalt  }
0x53: {  	_ =	shalt  }
0x54: {  	_ =	shalt  }
0x55: {  	_ =	shalt  }
0x56: {  	_ =	shalt  }
0x57: {  	_ =	shalt  }
0x58: {  	_ =	shalt  }
0x59: {  	_ =	shalt  }
0x5a: {  	_ =	shalt  }
0x5b: {  	_ =	shalt  }
0x5c: {  	_ =	shalt  }
0x5d: {  	_ =	shalt  }
0x5e: {  	_ =	shalt  }
0x5f: {  	_ =	shalt  }
0x60: {  	_ =	shalt  }
0x61: {  	_ =	shalt  }
0x62: {  	_ =	shalt  }
0x63: {  	_ =	shalt  }
0x64: {  	_ =	shalt  }
0x65: {  	_ =	shalt  }
0x66: {  	_ =	shalt  }
0x67: {  	_ =	shalt  }
0x68: {  	_ =	shalt  }
0x69: {  	_ =	shalt  }
0x6a: {  	_ =	shalt  }
0x6b: {  	_ =	shalt  }
0x6c: {  	_ =	shalt  }
0x6d: {  	_ =	shalt  }
0x6e: {  	_ =	shalt  }
0x6f: {  	_ =	shalt  }
0x70: {  	_ =	shalt  }
0x71: {  	_ =	shalt  }
0x72: {  	_ =	shalt  }
0x73: {  	_ =	shalt  }
0x74: {  	_ =	shalt  }
0x75: {  	_ =	shalt  }
0x76: {  	_ =	shalt  }
0x77: {  	_ =	shalt  }
0x78: {  	_ =	shalt  }
0x79: {  	_ =	shalt  }
0x7a: {  	_ =	shalt  }
0x7b: {  	_ =	shalt  }
0x7c: {  	_ =	shalt  }
0x7d: {  	_ =	shalt  }
0x7e: {  	_ =	shalt  }
0x7f: {  	_ =	shalt  }
0x80: {  	_ =	shalt  }
0x81: {  	_ =	shalt  }
0x82: {  	_ =	shalt  }
0x83: {  	_ =	shalt  }
0x84: {  	_ =	shalt  }
0x85: {  	_ =	shalt  }
0x86: {  	_ =	shalt  }
0x87: {  	_ =	shalt  }
.Lfunc_end0:
.L_simem_size_0:
called_computation_lowered:
.L_overlay_start_0:
0x88: {  	s2 =	sld [smem:$0x3FD9]  }
0x89: {  	s3 =	sld [smem:$0x3FFE];
	_ =	sdelay $0x1  }
0x8a: {  	s1 =	srdreg.scid  }
0x8b: {  	s0 =	sand.u32 $0x1, s1  }
0x8c: {  	s23 =	sshll.u32 s0, $0xA;
	s2 =	sadd.s32 s3, s2  }
0x8d: {  	s2 =	sadd.s32 s2, s23  }
0x8e: {  	[smem:$0x3FB9] =	sst s2  }
0x8f: {  	_ = 	snop  }
0x90: {  	s2 =	sld [smem:$0x3FC9]  }
0x91: {  	s3 =	sld [smem:$0x3FC8]  }
0x92: {  	s4 =	sld [smem:$0x3FC7]  }
0x93: {  	s5 =	sld [smem:$0x3FC6]  }
0x94: {  	s6 =	sld [smem:$0x3FC5]  }
0x95: {  	s7 =	sld [smem:$0x3FC4]  }
0x96: {  	s8 =	sld [smem:$0x3FC3]  }
0x97: {  	s9 =	sld [smem:$0x3FC2]  }
0x98: {  	s10 =	sld [smem:$0x3FC1]  }
0x99: {  	s11 =	sld [smem:$0x3FC0]  }
0x9a: {  	s12 =	sld [smem:$0x3FBF]  }
0x9b: {  	s13 =	sld [smem:$0x3FBE]  }
0x9c: {  	s14 =	sld [smem:$0x3FBD]  }
0x9d: {  	s15 =	sld [smem:$0x3FBC]  }
0x9e: {  	s17 =	sld [smem:$0x3FBB]  }
0x9f: {  	s18 =	sld [smem:$0x3FD0];
	(tm) =	ssettm $0x1  }
0xa0: {  	s16 =	sld [smem:$0x3FFB];
	_ =	sdelay $0x3  }
0xa1: {  	_ =	strace s16  }
0xa2: {  	s16 =	sld [smem:$0x3FFC];
	_ =	sdelay $0x3  }
0xa3: {  	_ =	strace s16  }
0xa4: {  	s16 =	sld [smem:$0x3FFD];
	_ =	sdelay $0x3  }
0xa5: {  	_ =	strace s16  }
0xa6: {  	_ =	strace $0x8FFFFFFF  }
0xa7: {  	s24 =	sld [smem:$0x3FDB];
	_ =	sdelay $0x1  }
0xa8: {  	s19 =	simm.s32 $_scs_section_size  }
0xa9: {  	s20 =	simm.s32 $_size__tile_task_arg_handler_lowered;
	s21 =	simm.s32 $_tile_task_arg_handler_lowered  }
0xaa: {  	s28 =	simm.s32 $0x1BFF;
	s26 =	sshll.u32 s21, $0x1;
	s19 =	sadd.s32 s19, s24  }
0xab: {  	s22 =	simm.s32 $0x60;
	s25 =	sshll.u32 s20, $0x1;
	s20 =	sadd.s32 s26, s19  }
0xac: {  	[timem:s22], [sflag:s28] =	dma.local [hbm:s20], s25  }
0xad: {  	_ =	swait.ge [sflag:s28], s25  }
0xae: {  	s29 =	simm.s32 $_tile_overlayer_lowered;
	s16 =	ssub.s32 $0x0, s25;
	[sflag:s28] =	ssyncset.done $0x0  }
0xaf: {  	s30 =	simm.s32 $_size__tile_overlayer_lowered;
	s20 =	sshll.u32 s29, $0x1;
	[sflag:s28] =	ssyncadd.s32 s16  }
0xb0: {  	s31 =	sshll.u32 s30, $0x1;
	s20 =	sadd.s32 s20, s19;
	s16 =	simm.s32 $0x0  }
0xb1: {  	[timem:s16], [sflag:s28] =	dma.local [hbm:s20], s31  }
0xb2: {  	_ =	swait.ge [sflag:s28], s31  }
0xb3: {  	s23 =	ssub.s32 $0x0, s31;
	[sflag:s28] =	ssyncset.done $0x0  }
0xb4: {  	[sflag:s28] =	ssyncadd.s32 s23;
	_ =	sdelay $0x1  }
0xb5: {  	s24 =	simm.s32 $0x1B8B  }
0xb6: {  	_ =	swait.ge [sflag:s24], $0x1  }
0xb7: {  	[sflag:s24] =	ssyncset.done $0x0  }
0xb8: {  	s25 =	simm.s32 $0x1B8E;
	[sflag:s24] =	ssyncadd.s32 $0xFFFFFFFF  }
0xb9: {  	s26 =	simm.s32 $execute0_lowered;
	[smem:$0x3FD2] =	sst s25  }
0xba: {  	s20 =	sshll.u32 s26, $0x1;
	_ =	strace $0x80000046;
	[dreg:$0x1] =	wrdreg $0xFFFFFFFF  }
0xbb: {  	s19 =	sadd.s32 s19, s20;
	s28 =	simm.s32 $_size_execute0_lowered;
	[dreg:$0x0] =	wrdreg $0x0  }
0xbc: {  	s20 =	sshll.u32 s28, $0x1;
	[dreg:$0x2] =	wrdreg s19  }
0xbd: {  	[dreg:$0x3] =	wrdreg s20  }
0xbe: {  	[dreg:$0x4] =	wrdreg $0xC0  }
0xbf: {  	_ =	task [dreg:s16], $0x5FFFF  }
0xc0: {  	[dreg:$0x1] =	wrdreg $0xFFFFFFFF  }
0xc1: {  	[dreg:$0x0] =	wrdreg $0x30  }
0xc2: {  	[dreg:$0x2] =	wrdreg $0x0  }
0xc3: {  	[dreg:$0x3] =	wrdreg s17  }
0xc4: {  	[dreg:$0x4] =	wrdreg s18  }
0xc5: {  	[dreg:$0x5] =	wrdreg $0x9  }
0xc6: {  	_ =	task [dreg:s16], $0x6FFFF  }
0xc7: {  	[dreg:$0x1] =	wrdreg $0xFFFFFFFF  }
0xc8: {  	[dreg:$0x0] =	wrdreg $0x60  }
0xc9: {  	[dreg:$0x2] =	wrdreg s2  }
0xca: {  	[dreg:$0x3] =	wrdreg s3  }
0xcb: {  	[dreg:$0x4] =	wrdreg s4  }
0xcc: {  	[dreg:$0x5] =	wrdreg s5  }
0xcd: {  	[dreg:$0x6] =	wrdreg s6  }
0xce: {  	[dreg:$0x7] =	wrdreg s7  }
0xcf: {  	[dreg:$0x8] =	wrdreg s8  }
0xd0: {  	[dreg:$0x9] =	wrdreg s9  }
0xd1: {  	[dreg:$0xa] =	wrdreg s10  }
0xd2: {  	[dreg:$0xb] =	wrdreg s11  }
0xd3: {  	[dreg:$0xc] =	wrdreg s12  }
0xd4: {  	[dreg:$0xd] =	wrdreg s13  }
0xd5: {  	[dreg:$0xe] =	wrdreg s14  }
0xd6: {  	[dreg:$0xf] =	wrdreg s15  }
0xd7: {  	_ =	task.clear_ibuf [dreg:s16], $0x10FFFF;
	_ =	strace $0x90000046  }
0xd8: {  	s29 =	simm.s32 $0x9;
	_ =	strace $0x80000048  }
0xd9: {  	_ =	swait.ge [sflag:s29], $0x1  }
0xda: {  	[sflag:s29] =	ssyncadd.s32 $0xFFFFFFFF  }
0xdb: {  	_ =	strace $0x90000048  }
0xdc: {  	_ =	sfence  }
0xdd: {  	s30 =	sld [smem:$0x0];
	_ =	sdelay $0x2  }
0xde: {  	s31 =	sshll.u32 s1, $0xD;
	s1 =	sshrl.u32 s1, $0x2  }
0xdf: {  	s3 =	sand.u32 $0x4000, s31;
	s1 =	sadd.s32 s1, s30  }
0xe0: {  	s0 =	sor.u32 s3, s0;
	s1 =	sshll.u32 s1, $0x11  }
0xe1: {  	s0 =	sor.u32 s1, s0  }
0xe2: {  	s0 =	sadd.s32 $0x8F2B, s0  }
0xe3: {  	[sflag:s0] =	ssyncadd.remote.s32 $0x1  }
0xe4: {  	_ =	sfence.sel $0xFFFF  }
0xe5: {  	[dreg:$0x0] =	wrdreg $0xFFFFFFFF;
	(pc) =	sbr.abs _section_cstart, $3  }
0xe6: {  	[dreg:$0x1] =	wrdreg $0xFFFFFFFF  }
0xe7: {  	_ =	task.clear_ibuf [dreg:s16], $0x2FFFF;
	_ =	strace $0x9FFFFFFF  }
0xe8: {  	(tm) =	ssettm $0x7FFFFFFF  }
0xe9: {  	_ =	shalt  }
tec
_tile_task_arg_handler_lowered:
.L_overlay_start_1:
0x0: {  	(tag) =	ssettag $0x1  }
0x1: {  	s0 =	rddreg [dreg:$0x0]  }
0x2: {  	s1 =	rddreg [dreg:$0x1]  }
0x3: {  	s2 =	rddreg [dreg:$0x2]  }
0x4: {  	s3 =	rddreg [dreg:$0x3]  }
0x5: {  	s4 =	rddreg [dreg:$0x4]  }
0x6: {  	s5 =	rddreg [dreg:$0x5]  }
0x7: {  	s6 =	rddreg [dreg:$0x6]  }
0x8: {  	s7 =	rddreg [dreg:$0x7]  }
0x9: {  	s8 =	rddreg [dreg:$0x8]  }
0xa: {  	s9 =	rddreg [dreg:$0x9]  }
0xb: {  	s10 =	rddreg [dreg:$0xa]  }
0xc: {  	s11 =	rddreg [dreg:$0xb]  }
0xd: {  	s12 =	rddreg [dreg:$0xc]  }
0xe: {  	s13 =	rddreg [dreg:$0xd]  }
0xf: {  	[smem:s0] =	sst s1  }
0x10: {  	[smem:s0+$0x1] =	sst s2  }
0x11: {  	[smem:s0+$0x2] =	sst s3  }
0x12: {  	[smem:s0+$0x3] =	sst s4  }
0x13: {  	[smem:s0+$0x4] =	sst s5  }
0x14: {  	[smem:s0+$0x5] =	sst s6  }
0x15: {  	[smem:s0+$0x6] =	sst s7  }
0x16: {  	[smem:s0+$0x7] =	sst s8  }
0x17: {  	[smem:s0+$0x8] =	sst s9  }
0x18: {  	[smem:s0+$0x9] =	sst s10  }
0x19: {  	[smem:s0+$0xA] =	sst s11  }
0x1a: {  	[smem:s0+$0xB] =	sst s12  }
0x1b: {  	[smem:s0+$0xC] =	sst s13;
	_ =	shalt  }
.Lfunc_end2:
execute0_lowered:
.L_overlay_start_2:
0x1c: {  	(tag) =	ssettag $0x2  }
0x1d: {  	s0 =	rddreg [dreg:$0x0]  }
0x1e: {  	s1 =	rddreg [dreg:$0x1];
	s12 =	simm.s32 $0x0;
	s2 =	srdreg.scid  }
0x1f: {  	s5 =	stileid.u32;
	s20 =	simm.s32 $0x1000;
	s21 =	simm.s32 $0x20000  }
0x20: {  	s24 =	simm.s32 $0x4000;
	s28 =	simm.s32 $0x4030;
	s29 =	simm.s32 $0x4040  }
0x21: {  	s30 =	simm.s32 $0x4050;
	s31 =	simm.s32 $0x4060;
	s13 =	simm.s32 $0x4070  }
0x22: {  	s15 =	simm.s32 $0x4080;
	[smem:$0x7FF] =	sst s12;
	s2 =	sand.u32 $0x1, s2  }
0x23: {  	s5 =	sshll.u32 s5, $0xA;
	s14 =	sld [smem:$0x0];
	s4 =	ssub.s32 $0x2, s2  }
0x24: {  	s3 =	sld [smem:$0x1];
	s2 =	sshll.u32 s2, $0x9;
	s26 =	sshrl.u32 s4, $0x1  }
0x25: {  	s6 =	sld [smem:$0x2];
	s2 =	sor.u32 s2, s5;
	s4 =	ssub.s32 s4, s26  }
0x26: {  	s5 =	sshrl.u32 s2, $0x3;
	s16 =	sadd.s32 s0, s2;
	s17 =	sadd.s32 s1, s2  }
0x27: {  	s26 =	simm.s32 $0x4020;
	s0 =	simm.s32 $0x4090;
	s1 =	simm.s32 $0x40A0  }
0x28: {  	s2 =	simm.s32 $0x40B0;
	[dreg:$0xe] =	wrdreg s6;
	s18 =	sadd.s32 s3, s5  }
0x29: {  	s19 =	smax.u32 s4, $0x1;
	s3 =	simm.s32 $0x1;
	s4 =	simm.s32 $0x4100  }
0x2a: {  	v0 =	vimm.s32 $0xC0;
	s5 =	simm.s32 $0x2;
	s6 =	simm.s32 $0x0;
	_ =	strace $0x80000047  }
.LBB3_1:
0x2b: {  	[tilespmem:s12], [sflag:$0x1] =	stream.strided.gather [hbm4b:s16+s20], $0x2000, s21, s20, $0x38;
	[tilespmem:$0x4300] =	vst v63  }
0x2c: {  	s7 =	simm.s32 $0x2000  }
0x2d: {  	[tilespmem:s7], [sflag:$0x1] =	stream.strided.gather [hbm4b:s17+s20], $0x2000, s21, s20, $0x38;
	[tilespmem:$0x4300] =	vst v63  }
0x2e: {  	s22 =	simm.s32 $0x40C0  }
0x2f: {  	[tilespmem:s22], [sflag:$0x1] =	stream.linear.gather [hbm4b:s14+s12], $0x1, $0x38;
	[tilespmem:$0x4300] =	vst v63  }
0x30: {  	s23 =	rddreg [dreg:$0x2]  }
0x31: {  	[tilespmem:s24], [sflag:$0x1] =	stream.linear.gather [hbm4b:s23+s12], $0x6, $0x38;
	[tilespmem:$0x4300] =	vst v63  }
0x32: {  	s25 =	rddreg [dreg:$0x3];
	s8 =	simm.s32 $0x4010  }
0x33: {  	[tilespmem:s8], [sflag:$0x1] =	stream.linear.gather [hbm4b:s25+s12], $0xA, $0x38;
	[tilespmem:$0x4300] =	vst v63  }
0x34: {  	s9 =	rddreg [dreg:$0x4]  }
0x35: {  	[tilespmem:s26], [sflag:$0x1] =	stream.linear.gather [hbm4b:s9+s12], $0x2, $0x38;
	[tilespmem:$0x4300] =	vst v63  }
0x36: {  	s10 =	rddreg [dreg:$0x5]  }
0x37: {  	[tilespmem:s28], [sflag:$0x1] =	stream.linear.gather [hbm4b:s10+s12], $0x1, $0x38;
	[tilespmem:$0x4300] =	vst v63  }
0x38: {  	s11 =	rddreg [dreg:$0x6]  }
0x39: {  	[tilespmem:s29], [sflag:$0x1] =	stream.linear.gather [hbm4b:s11+s12], $0x1, $0x38;
	[tilespmem:$0x4300] =	vst v63  }
0x3a: {  	s22 =	rddreg [dreg:$0x7]  }
0x3b: {  	[tilespmem:s30], [sflag:$0x1] =	stream.linear.gather [hbm4b:s22+s12], $0x1, $0x38;
	[tilespmem:$0x4300] =	vst v63  }
0x3c: {  	s23 =	rddreg [dreg:$0x8]  }
0x3d: {  	[tilespmem:s31], [sflag:$0x1] =	stream.linear.gather [hbm4b:s23+s12], $0x1, $0x38;
	[tilespmem:$0x4300] =	vst v63  }
0x3e: {  	s25 =	rddreg [dreg:$0x9]  }
0x3f: {  	[tilespmem:s13], [sflag:$0x1] =	stream.linear.gather [hbm4b:s25+s12], $0x2, $0x38;
	[tilespmem:$0x4300] =	vst v63  }
0x40: {  	s8 =	rddreg [dreg:$0xa]  }
0x41: {  	[tilespmem:s15], [sflag:$0x1] =	stream.linear.gather [hbm4b:s8+s12], $0x1, $0x38;
	[tilespmem:$0x4300] =	vst v63  }
0x42: {  	s9 =	rddreg [dreg:$0xb]  }
0x43: {  	[tilespmem:s0], [sflag:$0x1] =	stream.linear.gather [hbm4b:s9+s12], $0x1, $0x38;
	[tilespmem:$0x4300] =	vst v63  }
0x44: {  	s10 =	rddreg [dreg:$0xc]  }
0x45: {  	[tilespmem:s1], [sflag:$0x1] =	stream.linear.gather [hbm4b:s10+s12], $0x2, $0x38;
	[tilespmem:$0x4300] =	vst v63  }
0x46: {  	s11 =	rddreg [dreg:$0xd]  }
0x47: {  	[tilespmem:s2], [sflag:$0x1] =	stream.linear.gather [hbm4b:s11+s12], $0x2, $0x38;
	[tilespmem:$0x4300] =	vst v63  }
0x48: {  	_ =	swait.ge [sflag:s3], $0x2000  }
0x49: {  	[sflag:s3] =	ssyncset.done $0x0  }
0x4a: {  	[sflag:s3] =	ssyncadd.s32 $0xFFFFE000  }
0x4b: {  	_ =	swait.ge [sflag:s3], $0x2000  }
0x4c: {  	[sflag:s3] =	ssyncset.done $0x0  }
0x4d: {  	[sflag:s3] =	ssyncadd.s32 $0xFFFFE000  }
0x4e: {  	_ =	swait.ge [sflag:s3], $0x1  }
0x4f: {  	[sflag:s3] =	ssyncset.done $0x0  }
0x50: {  	[sflag:s3] =	ssyncadd.s32 $0xFFFFFFFF  }
0x51: {  	_ =	swait.ge [sflag:s3], $0x6  }
0x52: {  	[sflag:s3] =	ssyncset.done $0x0  }
0x53: {  	[sflag:s3] =	ssyncadd.s32 $0xFFFFFFFA  }
0x54: {  	_ =	swait.ge [sflag:s3], $0xA  }
0x55: {  	[sflag:s3] =	ssyncset.done $0x0  }
0x56: {  	[sflag:s3] =	ssyncadd.s32 $0xFFFFFFF6  }
0x57: {  	_ =	swait.ge [sflag:s3], $0x2  }
0x58: {  	[sflag:s3] =	ssyncset.done $0x0  }
0x59: {  	[sflag:s3] =	ssyncadd.s32 $0xFFFFFFFE  }
0x5a: {  	_ =	swait.ge [sflag:s3], $0x1  }
0x5b: {  	[sflag:s3] =	ssyncset.done $0x0  }
0x5c: {  	[sflag:s3] =	ssyncadd.s32 $0xFFFFFFFF  }
0x5d: {  	_ =	swait.ge [sflag:s3], $0x1  }
0x5e: {  	[sflag:s3] =	ssyncset.done $0x0  }
0x5f: {  	[sflag:s3] =	ssyncadd.s32 $0xFFFFFFFF  }
0x60: {  	_ =	swait.ge [sflag:s3], $0x1  }
0x61: {  	[sflag:s3] =	ssyncset.done $0x0  }
0x62: {  	[sflag:s3] =	ssyncadd.s32 $0xFFFFFFFF  }
0x63: {  	_ =	swait.ge [sflag:s3], $0x1  }
0x64: {  	[sflag:s3] =	ssyncset.done $0x0  }
0x65: {  	[sflag:s3] =	ssyncadd.s32 $0xFFFFFFFF  }
0x66: {  	_ =	swait.ge [sflag:s3], $0x2  }
0x67: {  	[sflag:s3] =	ssyncset.done $0x0  }
0x68: {  	[sflag:s3] =	ssyncadd.s32 $0xFFFFFFFE  }
0x69: {  	_ =	swait.ge [sflag:s3], $0x1  }
0x6a: {  	[sflag:s3] =	ssyncset.done $0x0  }
0x6b: {  	[sflag:s3] =	ssyncadd.s32 $0xFFFFFFFF  }
0x6c: {  	_ =	swait.ge [sflag:s3], $0x1  }
0x6d: {  	[sflag:s3] =	ssyncset.done $0x0  }
0x6e: {  	[sflag:s3] =	ssyncadd.s32 $0xFFFFFFFF  }
0x6f: {  	_ =	swait.ge [sflag:s3], $0x2  }
0x70: {  	[sflag:s3] =	ssyncset.done $0x0  }
0x71: {  	[sflag:s3] =	ssyncadd.s32 $0xFFFFFFFE  }
0x72: {  	_ =	swait.ge [sflag:s3], $0x2  }
0x73: {  	s22 =	sand.u32 $0xFFFFFC00, s12;
	[sflag:s3] =	ssyncset.done $0x0  }
0x74: {  	s9 =	sadd.s32 $0x0, s22;
	[sflag:s3] =	ssyncadd.s32 $0xFFFFFFFE  }
0x75: {  	s23 =	sand.u32 $0x70, s12;
	s7 =	sor.u32 $0x1180, s9;
	s10 =	sand.u32 $0xC00, s12;
	v1 =	vld.idx.msk [tilespmem:v0+s24+$0x0], $0xffff  }
0x76: {  	s8 =	sor.u32 s23, s10;
	v2 =	vld [tilespmem:s7+$0x0]  }
0x77: {  	v3 =	vld [tilespmem:s8+$0x1100]  }
0x78: {  	v4 =	vld [tilespmem:s8+$0x1080]  }
0x79: {  	v5 =	vld [tilespmem:s8+$0x0]  }
0x7a: {  	v6 =	vld [tilespmem:s8+$0x80]  }
0x7b: {  	s25 =	sor.u32 s12, s12;
	v7 =	vld [tilespmem:s8+$0x1000]  }
0x7c: {  	s10 =	sor.u32 $0x380, s25;
	v8 =	vld [tilespmem:s8+$0x100]  }
0x7d: {  	s9 =	sor.u32 $0x180, s9;
	v9 =	vld [tilespmem:s10+$0x0]  }
0x7e: {  	v10 =	vld [tilespmem:s9+$0x0]  }
0x7f: {  	v11 =	vld [tilespmem:s8+$0x300]  }
0x80: {  	v12 =	vld [tilespmem:s8+$0x200];
	v6 =	vadd.s32 $0x10, v6  }
0x81: {  	v13 =	vld [tilespmem:s8+$0x280]  }
0x82: {  	v14 =	vld [tilespmem:s8+$0x2000];
	v8 =	vadd.s32 $0x20, v8  }
0x83: {  	v5 =	vld.idx.msk [tilespmem:v5+s24+$0x0], $0xffff  }
0x84: {  	v15 =	vld [tilespmem:s8+$0x2080];
	v10 =	vadd.s32 $0x30, v10  }
0x85: {  	v6 =	vld.idx.msk [tilespmem:v6+s24+$0x0], $0xffff  }
0x86: {  	v16 =	vld [tilespmem:s8+$0x2100];
	v12 =	vadd.s32 $0x40, v12  }
0x87: {  	v8 =	vld.idx.msk [tilespmem:v8+s24+$0x0], $0xffff  }
0x88: {  	v54 =	vld [tilespmem:s9+$0x2000];
	v13 =	vadd.s32 $0x50, v13;
	v5 =	vmul.f32 v5, v14  }
0x89: {  	v10 =	vld.idx.msk [tilespmem:v10+s24+$0x0], $0xffff  }
0x8a: {  	v55 =	vld [tilespmem:s8+$0x2200];
	v11 =	vadd.s32 $0x60, v11;
	v5 =	vadd.f32 v5, v1;
	v6 =	vmul.f32 v6, v15  }
0x8b: {  	v12 =	vld.idx.msk [tilespmem:v12+s24+$0x0], $0xffff  }
0x8c: {  	v57 =	vld [tilespmem:s8+$0x2280];
	v9 =	vadd.s32 $0x70, v9;
	v5 =	vadd.f32 v6, v5;
	v6 =	vmul.f32 v8, v16  }
0x8d: {  	v56 =	vld.idx.msk [tilespmem:v13+s24+$0x0], $0xffff  }
0x8e: {  	v59 =	vld [tilespmem:s8+$0x2300];
	v7 =	vadd.s32 $0x80, v7;
	v5 =	vadd.f32 v6, v5;
	v6 =	vmul.f32 v10, v54  }
0x8f: {  	v58 =	vld.idx.msk [tilespmem:v11+s24+$0x0], $0xffff  }
0x90: {  	v60 =	vld [tilespmem:s10+$0x2000];
	v4 =	vadd.s32 $0x90, v4;
	v5 =	vadd.f32 v6, v5;
	v6 =	vmul.f32 v12, v55  }
0x91: {  	v9 =	vld.idx.msk [tilespmem:v9+s24+$0x0], $0xffff  }
0x92: {  	v61 =	vld [tilespmem:s8+$0x3000];
	v3 =	vadd.s32 $0xA0, v3;
	v5 =	vadd.f32 v6, v5;
	v6 =	vmul.f32 v56, v57  }
0x93: {  	v2 =	vadd.s32 $0xB0, v2;
	v7 =	vld.idx.msk [tilespmem:v7+s24+$0x0], $0xffff  }
0x94: {  	v62 =	vld [tilespmem:s8+$0x3080];
	v5 =	vadd.f32 v6, v5;
	v6 =	vmul.f32 v58, v59  }
0x95: {  	v4 =	vld.idx.msk [tilespmem:v4+s24+$0x0], $0xffff  }
0x96: {  	v63 =	vld [tilespmem:s8+$0x3100];
	v5 =	vadd.f32 v6, v5;
	v6 =	vmul.f32 v9, v60  }
0x97: {  	v3 =	vld.idx.msk [tilespmem:v3+s24+$0x0], $0xffff  }
0x98: {  	v2 =	vld.idx.msk [tilespmem:v2+s24+$0x0], $0xffff;
	v5 =	vadd.f32 v6, v5;
	v6 =	vmul.f32 v7, v61  }
0x99: {  	v7 =	vld [tilespmem:s7+$0x2000]  }
0x9a: {  	v4 =	vmul.f32 v4, v62;
	v5 =	vadd.f32 v6, v5;
	_ =	sdelay $0x1  }
0x9b: {  	v3 =	vmul.f32 v3, v63;
	v4 =	vadd.f32 v4, v5;
	_ =	sdelay $0x1  }
0x9c: {  	v2 =	vmul.f32 v2, v7;
	v3 =	vadd.f32 v3, v4  }
0x9d: {  	s10 =	simm.s32 $0x80  }
0x9e: {  	s9 =	sand.u32 $0xFFFFFC00, s10;
	v2 =	vadd.f32 v2, v3  }
0x9f: {  	s11 =	simm.s32 $0x10;
	s23 =	sadd.s32 $0x10, s9  }
0xa0: {  	s22 =	sand.u32 $0x70, s11;
	s25 =	sand.u32 $0xC00, s10;
	s8 =	sor.u32 $0x1180, s23;
	[tilespmem:s4+$0x0] =	vst v2  }
0xa1: {  	s9 =	sor.u32 s22, s25;
	v2 =	vld [tilespmem:s8+$0x0]  }
0xa2: {  	v3 =	vld [tilespmem:s9+$0x1100]  }
0xa3: {  	s22 =	simm.s32 $0x20;
	s7 =	simm.s32 $0x4100;
	v4 =	vld [tilespmem:s9+$0x1080]  }
.LBB3_2:
0xa4: {  	p0 =	sne.s32 s22, $0x1F0;
	v5 =	vld [tilespmem:s9+$0x0]  }
0xa5: {  	v6 =	vld [tilespmem:s9+$0x80]  }
0xa6: {  	s25 =	sor.u32 s10, s11;
	s11 =	smov.u32 s22;
	v7 =	vld [tilespmem:s9+$0x1000]  }
0xa7: {  	s25 =	sor.u32 $0x380, s25;
	v8 =	vld [tilespmem:s9+$0x100]  }
0xa8: {  	s23 =	sor.u32 $0x180, s23;
	v9 =	vld [tilespmem:s25+$0x0]  }
0xa9: {  	v10 =	vld [tilespmem:s23+$0x0]  }
0xaa: {  	v6 =	vadd.s32 $0x10, v6;
	v11 =	vld [tilespmem:s9+$0x300]  }
0xab: {  	v12 =	vld [tilespmem:s9+$0x200]  }
0xac: {  	v8 =	vadd.s32 $0x20, v8;
	v13 =	vld [tilespmem:s9+$0x280]  }
0xad: {  	v5 =	vld.idx.msk [tilespmem:v5+s24+$0x0], $0xffff  }
0xae: {  	v14 =	vld [tilespmem:s9+$0x2000];
	v10 =	vadd.s32 $0x30, v10  }
0xaf: {  	v6 =	vld.idx.msk [tilespmem:v6+s24+$0x0], $0xffff  }
0xb0: {  	v15 =	vld [tilespmem:s9+$0x2080];
	v12 =	vadd.s32 $0x40, v12  }
0xb1: {  	v8 =	vld.idx.msk [tilespmem:v8+s24+$0x0], $0xffff  }
0xb2: {  	v13 =	vadd.s32 $0x50, v13;
	v16 =	vld [tilespmem:s9+$0x2100]  }
0xb3: {  	v5 =	vmul.f32 v5, v14;
	v10 =	vld.idx.msk [tilespmem:v10+s24+$0x0], $0xffff  }
0xb4: {  	v11 =	vadd.s32 $0x60, v11;
	v14 =	vld [tilespmem:s23+$0x2000]  }
0xb5: {  	v5 =	vadd.f32 v5, v1;
	v6 =	vmul.f32 v6, v15;
	v12 =	vld.idx.msk [tilespmem:v12+s24+$0x0], $0xffff  }
0xb6: {  	v9 =	vadd.s32 $0x70, v9;
	v15 =	vld [tilespmem:s9+$0x2200]  }
0xb7: {  	v5 =	vadd.f32 v6, v5;
	v6 =	vmul.f32 v8, v16;
	v8 =	vld.idx.msk [tilespmem:v13+s24+$0x0], $0xffff  }
0xb8: {  	v7 =	vadd.s32 $0x80, v7;
	v13 =	vld [tilespmem:s9+$0x2280]  }
0xb9: {  	v5 =	vadd.f32 v6, v5;
	v6 =	vmul.f32 v10, v14;
	v10 =	vld.idx.msk [tilespmem:v11+s24+$0x0], $0xffff  }
0xba: {  	v4 =	vadd.s32 $0x90, v4;
	v11 =	vld [tilespmem:s9+$0x2300]  }
0xbb: {  	v5 =	vadd.f32 v6, v5;
	v6 =	vmul.f32 v12, v15;
	v9 =	vld.idx.msk [tilespmem:v9+s24+$0x0], $0xffff  }
0xbc: {  	v3 =	vadd.s32 $0xA0, v3;
	v12 =	vld [tilespmem:s25+$0x2000]  }
0xbd: {  	v5 =	vadd.f32 v6, v5;
	v6 =	vmul.f32 v8, v13;
	v7 =	vld.idx.msk [tilespmem:v7+s24+$0x0], $0xffff  }
0xbe: {  	v2 =	vadd.s32 $0xB0, v2;
	v8 =	vld [tilespmem:s9+$0x3000]  }
0xbf: {  	v5 =	vadd.f32 v6, v5;
	v6 =	vmul.f32 v10, v11;
	v4 =	vld.idx.msk [tilespmem:v4+s24+$0x0], $0xffff  }
0xc0: {  	v10 =	vld [tilespmem:s9+$0x3080]  }
0xc1: {  	v5 =	vadd.f32 v6, v5;
	v6 =	vmul.f32 v9, v12;
	v3 =	vld.idx.msk [tilespmem:v3+s24+$0x0], $0xffff  }
0xc2: {  	v9 =	vld [tilespmem:s9+$0x3100]  }
0xc3: {  	v5 =	vadd.f32 v6, v5;
	v6 =	vmul.f32 v7, v8;
	v2 =	vld.idx.msk [tilespmem:v2+s24+$0x0], $0xffff  }
0xc4: {  	v7 =	vld [tilespmem:s8+$0x2000]  }
0xc5: {  	v5 =	vadd.f32 v6, v5;
	v4 =	vmul.f32 v4, v10;
	_ =	sdelay $0x1  }
0xc6: {  	v4 =	vadd.f32 v4, v5;
	v3 =	vmul.f32 v3, v9;
	_ =	sdelay $0x1  }
0xc7: {  	v3 =	vadd.f32 v3, v4;
	v2 =	vmul.f32 v2, v7  }
0xc8: {  	s10 =	sadd.s32 $0x80, s10  }
0xc9: {  	s8 =	sand.u32 $0xFFFFFC00, s10;
	v2 =	vadd.f32 v2, v3  }
.Ltmp0:
0xca: {  	s7 =	sadd.s32 $0x10, s7;
	s23 =	sadd.s32 s8, s22;
	(pc) =	sbr.rel @p0 .LBB3_2-.Ltmp0, $4  }
0xcb: {  	s25 =	sand.u32 $0xC00, s10;
	s9 =	sand.u32 $0x70, s22;
	s8 =	sor.u32 $0x1180, s23;
	[tilespmem:s7+$0x0] =	vst v2  }
0xcc: {  	s9 =	sor.u32 s9, s25;
	v2 =	vld [tilespmem:s8+$0x0]  }
0xcd: {  	v3 =	vld [tilespmem:s9+$0x1100]  }
0xce: {  	s22 =	sadd.s32 $0x10, s22;
	v4 =	vld [tilespmem:s9+$0x1080]  }
0xcf: {  	v5 =	vld [tilespmem:s9+$0x0]  }
0xd0: {  	v6 =	vld [tilespmem:s9+$0x80]  }
0xd1: {  	v7 =	vld [tilespmem:s9+$0x1000]  }
0xd2: {  	v8 =	vld [tilespmem:s9+$0x100]  }
0xd3: {  	v11 =	vld [tilespmem:s9+$0x300]  }
0xd4: {  	s25 =	sor.u32 $0x180, s23;
	v12 =	vld [tilespmem:s9+$0x200]  }
0xd5: {  	v10 =	vld [tilespmem:s25+$0x0]  }
0xd6: {  	v13 =	vld [tilespmem:s9+$0x280];
	v6 =	vadd.s32 $0x10, v6  }
0xd7: {  	v14 =	vld [tilespmem:s9+$0x2000]  }
0xd8: {  	v15 =	vld [tilespmem:s9+$0x2080];
	v8 =	vadd.s32 $0x20, v8  }
0xd9: {  	v5 =	vld.idx.msk [tilespmem:v5+s24+$0x0], $0xffff  }
0xda: {  	s10 =	sor.u32 s10, s11;
	v16 =	vld [tilespmem:s9+$0x2100];
	v10 =	vadd.s32 $0x30, v10  }
0xdb: {  	s10 =	sor.u32 $0x380, s10;
	v6 =	vld.idx.msk [tilespmem:v6+s24+$0x0], $0xffff  }
0xdc: {  	v9 =	vld [tilespmem:s10+$0x0];
	v12 =	vadd.s32 $0x40, v12  }
0xdd: {  	v8 =	vld.idx.msk [tilespmem:v8+s24+$0x0], $0xffff  }
0xde: {  	v43 =	vld [tilespmem:s25+$0x2000];
	v13 =	vadd.s32 $0x50, v13;
	v5 =	vmul.f32 v5, v14  }
0xdf: {  	v10 =	vld.idx.msk [tilespmem:v10+s24+$0x0], $0xffff  }
0xe0: {  	v46 =	vld [tilespmem:s9+$0x2200];
	v11 =	vadd.s32 $0x60, v11;
	v1 =	vadd.f32 v5, v1;
	v44 =	vmul.f32 v6, v15  }
0xe1: {  	v45 =	vld.idx.msk [tilespmem:v12+s24+$0x0], $0xffff  }
0xe2: {  	v49 =	vld [tilespmem:s9+$0x2280];
	v9 =	vadd.s32 $0x70, v9;
	v47 =	vmul.f32 v8, v16;
	v1 =	vadd.f32 v44, v1  }
0xe3: {  	v48 =	vld.idx.msk [tilespmem:v13+s24+$0x0], $0xffff  }
0xe4: {  	v52 =	vld [tilespmem:s9+$0x2300];
	v7 =	vadd.s32 $0x80, v7;
	v50 =	vmul.f32 v10, v43;
	v1 =	vadd.f32 v47, v1  }
0xe5: {  	v51 =	vld.idx.msk [tilespmem:v11+s24+$0x0], $0xffff  }
0xe6: {  	v55 =	vld [tilespmem:s10+$0x2000];
	v4 =	vadd.s32 $0x90, v4;
	v53 =	vmul.f32 v45, v46;
	v1 =	vadd.f32 v50, v1  }
0xe7: {  	v54 =	vld.idx.msk [tilespmem:v9+s24+$0x0], $0xffff  }
0xe8: {  	v57 =	vld [tilespmem:s9+$0x3000];
	v3 =	vadd.s32 $0xA0, v3;
	v56 =	vmul.f32 v48, v49;
	v1 =	vadd.f32 v53, v1  }
0xe9: {  	v7 =	vld.idx.msk [tilespmem:v7+s24+$0x0], $0xffff  }
0xea: {  	v59 =	vld [tilespmem:s9+$0x3080];
	v2 =	vadd.s32 $0xB0, v2;
	v58 =	vmul.f32 v51, v52;
	v1 =	vadd.f32 v56, v1  }
0xeb: {  	v4 =	vld.idx.msk [tilespmem:v4+s24+$0x0], $0xffff  }
0xec: {  	v61 =	vld [tilespmem:s9+$0x3100];
	v60 =	vmul.f32 v54, v55;
	v1 =	vadd.f32 v58, v1  }
0xed: {  	v3 =	vld.idx.msk [tilespmem:v3+s24+$0x0], $0xffff  }
0xee: {  	v63 =	vld [tilespmem:s8+$0x2000];
	v62 =	vmul.f32 v7, v57;
	v1 =	vadd.f32 v60, v1  }
0xef: {  	v2 =	vld.idx.msk [tilespmem:v2+s24+$0x0], $0xffff  }
0xf0: {  	v4 =	vmul.f32 v4, v59;
	v1 =	vadd.f32 v62, v1;
	_ =	sdelay $0x1  }
0xf1: {  	v3 =	vmul.f32 v3, v61;
	v1 =	vadd.f32 v4, v1;
	_ =	sdelay $0x1  }
0xf2: {  	v2 =	vmul.f32 v2, v63;
	v1 =	vadd.f32 v3, v1;
	_ =	sdelay $0x1  }
0xf3: {  	s6 =	sadd.s32 $0x1, s6;
	v1 =	vadd.f32 v2, v1  }
0xf4: {  	s7 =	sadd.s32 $0x10, s7;
	p0 =	sne.s32 s6, s19  }
.Ltmp1:
0xf5: {  	[tilespmem:s7+$0x0] =	vst v1;
	(pc) =	sbr.rel @p0 .LBB3_1-.Ltmp1, $4  }
0xf6: {  	[hbm4b:s18+s12] =	stream.linear.scatter [tilespmem:s4], [sflag:$0x2], $0x200, $0x38;
	[tilespmem:$0x4300] =	vst v63  }
0xf7: {  	_ =	swait.ge [sflag:s5], $0x200  }
0xf8: {  	[sflag:s5] =	ssyncset.done $0x0  }
0xf9: {  	[sflag:s5] =	ssyncadd.s32 $0xFFFFFE00  }
0xfa: {  	_ =	sfence.sel $0x180000  }
0xfb: {  	[bflag:$0x0] =	sbarrier.arrive $0xFFFF  }
0xfc: {  	_ =	strace $0x90000047  }
0xfd: {  	s0 =	stileid.u32;
	[bflag:$0x2] =	sbarrier.arrive $0xFFFF  }
0xfe: {  	p0 =	sne.s32 s0, $0x0;
	s0 =	rddreg [dreg:$0xe]  }
0xff: {  	s0 =	sadd.s32 @!p0 $0x100000, s0  }
0x100: {  	[sflag:s0] =	ssyncadd.tile.s32 @!p0 $0x1;
	_ =	shalt  }
.Lfunc_end3:
_tile_overlayer_lowered:
.L_overlay_start_3:
0x101: {  	(tag) =	ssettag $0x3  }
0x102: {  	s0 =	rddreg [dreg:$0x0];
	s2 =	stileid.u32  }
0x103: {  	s1 =	rddreg [dreg:$0x1];
	p0 =	sne.s32 s2, $0x0  }
0x104: {  	s3 =	rddreg [dreg:$0x2];
	[bflag:$0x3] =	sbarrier.arrive $0xFFFF;
	s2 =	simm.s32 @!p0 $0x1C02  }
0x105: {  	[timem:s3], [sflag:s2] =	dma.local @!p0 [hbm:s0], s1  }
0x106: {  	s0 =	simm.s32 @!p0 $0x2  }
0x107: {  	_ =	swait.ge @!p0 [sflag:s0], s1  }
0x108: {  	s1 =	ssub.s32 @!p0 $0x0, s1;
	[sflag:s0] =	ssyncset.done @!p0 $0x0  }
0x109: {  	[sflag:s0] =	ssyncadd.s32 @!p0 s1  }
0x10a: {  	[bflag:$0x3] =	sbarrier.arrive $0xFFFF  }
0x10b: {  	_ =	shalt  }

</sc_bundles>
